<compile_context>
chip_gen: v7x
topology: tpu7x:2x2x1
jax: 0.10.2.dev20260603
libtpu: 0.0.44.dev20260713+nightly
codegen_flags: <defaults>
</compile_context>

<pallas_src>
import math

import jax
import jax.numpy as jnp
from jax import lax
from jax.experimental import pallas as pl
from jax.experimental.pallas import tpu as pltpu
from jax.experimental.pallas import tpu_sc as plsc

D_MODEL = 64
LANES = 16
WINDOW = 128
NBUF = 8
SCALE = math.sqrt(D_MODEL)
NUM_WORKERS = 32


def kernel(x, lut):
    orig_shape = x.shape
    b = x.size
    idx = x.reshape(b).astype(jnp.int32)

    n_per_w = b // NUM_WORKERS
    steps = n_per_w // WINDOW
    groups = steps // NBUF
    assert groups * NBUF * WINDOW * NUM_WORKERS == b

    mesh = plsc.VectorSubcoreMesh(core_axis_name="core",
                                  subcore_axis_name="subcore")

    @pl.kernel(
        out_type=jax.ShapeDtypeStruct((b, D_MODEL), jnp.float32),
        mesh=mesh,
        compiler_params=pltpu.CompilerParams(use_tc_tiling_on_sc=False),
        scratch_types=[
            pltpu.VMEM((n_per_w,), jnp.int32),
            pltpu.VMEM((NBUF, WINDOW, D_MODEL), jnp.float32),
            pltpu.SemaphoreType.DMA((NBUF,)),
            pltpu.SemaphoreType.DMA((NBUF,)),
        ],
    )
    def gather_scale(lut_hbm, i_hbm, o_hbm, idx_v, rows, gsem, osem):
        wid = lax.axis_index("core") * 16 + lax.axis_index("subcore")
        base = wid * n_per_w
        pltpu.sync_copy(i_hbm.at[pl.ds(base, n_per_w)], idx_v)

        @pl.loop(0, steps, step=NBUF)
        def _(g):
            for bi in range(NBUF):
                @pl.when(g > 0)
                def _():
                    off = base + (g - NBUF + bi) * WINDOW
                    pltpu.make_async_copy(
                        rows.at[bi], o_hbm.at[pl.ds(off, WINDOW)],
                        osem.at[bi]).wait()
                pltpu.async_copy(
                    lut_hbm.at[idx_v.at[pl.ds((g + bi) * WINDOW, WINDOW)]],
                    rows.at[bi], gsem.at[bi])
            for bi in range(NBUF):
                pltpu.make_async_copy(
                    lut_hbm.at[idx_v.at[pl.ds((g + bi) * WINDOW, WINDOW)]],
                    rows.at[bi], gsem.at[bi]).wait()

                @pl.loop(0, WINDOW)
                def _(r):
                    for c in range(D_MODEL // LANES):
                        sl = (pl.ds(r, 1), pl.ds(c * LANES, LANES))
                        rows.at[bi].at[sl][...] = (
                            rows.at[bi].at[sl][...] * SCALE)

                off = base + (g + bi) * WINDOW
                pltpu.async_copy(rows.at[bi],
                                 o_hbm.at[pl.ds(off, WINDOW)], osem.at[bi])

        for bi in range(NBUF):
            off = base + (steps - NBUF + bi) * WINDOW
            pltpu.make_async_copy(rows.at[bi],
                                  o_hbm.at[pl.ds(off, WINDOW)],
                                  osem.at[bi]).wait()

    out = gather_scale(lut, idx)
    return out.reshape(*orig_shape, D_MODEL)

# --- scband reference (transcript-rebuilt; emitter-appended) ---
"""Pipeline reference for scband-embeddings-25769804141 (READ-ONLY COPY).

The authoritative reference and input builder live on the scoring server;
editing this copy changes nothing except your own understanding.
"""

import jax, jax.numpy as jnp
import numpy as np
import math

N_TOKEN = 1000000
D_MODEL = 64

def setup_inputs(seed: int = 0) -> dict:
    key = jax.random.key(seed)
    k_idx, k_tab = jax.random.split(key)
    x = jax.random.randint(k_idx, (4096, 200), 0, N_TOKEN, dtype=jnp.int64 if jax.config.jax_enable_x64 else jnp.int32)
    lut = jax.random.normal(k_tab, (N_TOKEN, D_MODEL), dtype=jnp.float32)
    return {"x": x, "lut": lut}

def reference(x, lut):
    # Embeddings.forward: self.lut(x) * sqrt(d_model)
    emb = jnp.take(lut, x, axis=0)
    return emb * math.sqrt(D_MODEL)

if __name__ == "__main__":
    import jax
    _d = setup_inputs()
    print(jax.jit(kernel)(*tuple(_d.values())))

</pallas_src>

<mosaic_0001>
#map = affine_map<(d0, d1) -> (0, 0)>
#map1 = affine_map<(d0, d1) -> (0)>
module attributes {stable_mosaic.version = 14 : i64} {
  func.func @gather_scale(%arg0: i32, %arg1: i32, %arg2: memref<1000000x64xf32, #tpu.memory_space<hbm>>, %arg3: memref<819200xi32, #tpu.memory_space<hbm>>, %arg4: memref<819200x64xf32, #tpu.memory_space<hbm>>, %arg5: memref<25600xi32, #tpu.memory_space<vmem>>, %arg6: memref<8x128x64xf32, #tpu.memory_space<vmem>>, %arg7: memref<8x!tpu.dma_semaphore, #tpu.memory_space<semaphore_mem>>, %arg8: memref<8x!tpu.dma_semaphore, #tpu.memory_space<semaphore_mem>>) attributes {dimension_semantics = [#tpu.dimension_semantics<core_parallel>, #tpu.dimension_semantics<subcore_parallel>], iteration_bounds = array<i64: 2, 16>, scalar_prefetch = 0 : i64, scratch_operands = 4 : i64, tpu.core_type = #tpu.core_type<sc_vector_subcore>, window_params = [{transform_indices = #map}, {transform_indices = #map1}, {transform_indices = #map}]} {
    %mul3A = arith.constant 16 : i32
    %mul3A_0 = arith.muli %arg0, %mul3A : i32
    %add3A = arith.addi %mul3A_0, %arg1 : i32
    %mul3A_1 = arith.constant 25600 : i32
    %mul3A_2 = arith.muli %add3A, %mul3A_1 : i32
    "tpu.region"() ({
      %run_scoped3A = tpu.sem_alloc : memref<!tpu.dma_semaphore, #tpu.memory_space<semaphore_mem>>
      %dma_start3A = tpu.memref_slice %arg3[%mul3A_2] : memref<819200xi32, #tpu.memory_space<hbm>> -> memref<25600xi32, #tpu.memory_space<hbm>>
      %dma_start3A_150 = tpu.memref_slice %arg3[%mul3A_2] : memref<819200xi32, #tpu.memory_space<hbm>> -> memref<25600xi32, #tpu.memory_space<hbm>>
      tpu.enqueue_dma source(%dma_start3A_150 : memref<25600xi32, #tpu.memory_space<hbm>>) target(%arg5 : memref<25600xi32, #tpu.memory_space<vmem>>) target_semaphore(%run_scoped3A : memref<!tpu.dma_semaphore, #tpu.memory_space<semaphore_mem>>)
      %dma_wait3A_151 = tpu.memref_slice %arg3[%mul3A_2] : memref<819200xi32, #tpu.memory_space<hbm>> -> memref<25600xi32, #tpu.memory_space<hbm>>
      %dma_wait3A_152 = tpu.memref_slice %arg3[%mul3A_2] : memref<819200xi32, #tpu.memory_space<hbm>> -> memref<25600xi32, #tpu.memory_space<hbm>>
      tpu.wait_dma2 semaphore(%run_scoped3A : memref<!tpu.dma_semaphore, #tpu.memory_space<semaphore_mem>>) src(%dma_wait3A_152 : memref<25600xi32, #tpu.memory_space<hbm>>) dst(%arg5 : memref<25600xi32, #tpu.memory_space<vmem>>)
      tpu.yield
    }) : () -> ()
    %scan3A = arith.constant 0 : i32
    %scan3A_3 = arith.constant 25 : i32
    %scan3A_4 = arith.addi %scan3A, %scan3A_3 : i32
    %scan3A_5 = arith.constant 1 : i32
    scf.for %scan3A_150 = %scan3A to %scan3A_4 step %scan3A_5  : i32 {
      %mul3A_151 = arith.constant 8 : i32
      %mul3A_152 = arith.muli %scan3A_150, %mul3A_151 : i32
      %add3A_153 = arith.constant 0 : i32
      %add3A_154 = arith.addi %add3A_153, %mul3A_152 : i32
      %gt3A = arith.constant 0 : i32
      %gt3A_155 = arith.cmpi sgt, %add3A_154, %gt3A : i32
      %convert_element_type3A = arith.extui %gt3A_155 : i1 to i32
      %cond3A = arith.constant 0 : i32
      %cond3A_156 = arith.cmpi ne, %convert_element_type3A, %cond3A : i32
      scf.if %cond3A_156 {
        %sub3A = arith.constant 8 : i32
        %sub3A_655 = arith.subi %add3A_154, %sub3A : i32
        %add3A_656 = arith.constant 0 : i32
        %add3A_657 = arith.addi %sub3A_655, %add3A_656 : i32
        %mul3A_658 = arith.constant 128 : i32
        %mul3A_659 = arith.muli %add3A_657, %mul3A_658 : i32
        %add3A_660 = arith.addi %mul3A_2, %mul3A_659 : i32
        %dma_wait3A_661 = arith.constant 0 : i32
        %dma_wait3A_662 = arith.constant 0 : i32
        %dma_wait3A_663 = arith.constant 0 : i32
        %dma_wait3A_664 = arith.constant 0 : i32
        %dma_wait3A_665 = tpu.memref_slice %arg6[%dma_wait3A_661, %dma_wait3A_663, %dma_wait3A_664] : memref<8x128x64xf32, #tpu.memory_space<vmem>> -> memref<1x128x64xf32, #tpu.memory_space<vmem>>
        %dma_wait3A_666 = tpu.memref_squeeze %dma_wait3A_665 : memref<1x128x64xf32, #tpu.memory_space<vmem>> -> memref<128x64xf32, #tpu.memory_space<vmem>>
        %dma_wait3A_667 = arith.constant 0 : i32
        %dma_wait3A_668 = tpu.memref_slice %arg4[%add3A_660, %dma_wait3A_667] : memref<819200x64xf32, #tpu.memory_space<hbm>> -> memref<128x64xf32, #tpu.memory_space<hbm>>
        %dma_wait3A_669 = tpu.memref_slice %arg8[%dma_wait3A_662] : memref<8x!tpu.dma_semaphore, #tpu.memory_space<semaphore_mem>> -> memref<1x!tpu.dma_semaphore, #tpu.memory_space<semaphore_mem>>
        %dma_wait3A_670 = tpu.memref_squeeze %dma_wait3A_669 : memref<1x!tpu.dma_semaphore, #tpu.memory_space<semaphore_mem>> -> memref<!tpu.dma_semaphore, #tpu.memory_space<semaphore_mem>>
        %dma_wait3A_671 = arith.constant 0 : i32
        %dma_wait3A_672 = tpu.memref_slice %arg4[%add3A_660, %dma_wait3A_671] : memref<819200x64xf32, #tpu.memory_space<hbm>> -> memref<128x64xf32, #tpu.memory_space<hbm>>
        %dma_wait3A_673 = arith.constant 0 : i32
        %dma_wait3A_674 = arith.constant 0 : i32
        %dma_wait3A_675 = tpu.memref_slice %arg6[%dma_wait3A_661, %dma_wait3A_673, %dma_wait3A_674] : memref<8x128x64xf32, #tpu.memory_space<vmem>> -> memref<1x128x64xf32, #tpu.memory_space<vmem>>
        %dma_wait3A_676 = tpu.memref_squeeze %dma_wait3A_675 : memref<1x128x64xf32, #tpu.memory_space<vmem>> -> memref<128x64xf32, #tpu.memory_space<vmem>>
        tpu.wait_dma2 semaphore(%dma_wait3A_670 : memref<!tpu.dma_semaphore, #tpu.memory_space<semaphore_mem>>) src(%dma_wait3A_676 : memref<128x64xf32, #tpu.memory_space<vmem>>) dst(%dma_wait3A_672 : memref<128x64xf32, #tpu.memory_space<hbm>>)
      } else {
      }
      %add3A_157 = arith.constant 0 : i32
      %add3A_158 = arith.addi %add3A_154, %add3A_157 : i32
      %mul3A_159 = arith.constant 128 : i32
      %mul3A_160 = arith.muli %add3A_158, %mul3A_159 : i32
      %dma_start3A = arith.constant 0 : i32
      %dma_start3A_161 = arith.constant 0 : i32
      %dma_start3A_162 = arith.constant 0 : i32
      %dma_start3A_163 = arith.constant 0 : i32
      %dma_start3A_164 = tpu.memref_slice %arg6[%dma_start3A, %dma_start3A_162, %dma_start3A_163] : memref<8x128x64xf32, #tpu.memory_space<vmem>> -> memref<1x128x64xf32, #tpu.memory_space<vmem>>
      %dma_start3A_165 = tpu.memref_squeeze %dma_start3A_164 : memref<1x128x64xf32, #tpu.memory_space<vmem>> -> memref<128x64xf32, #tpu.memory_space<vmem>>
      %dma_start3A_166 = tpu.memref_slice %arg5[%mul3A_160] : memref<25600xi32, #tpu.memory_space<vmem>> -> memref<128xi32, #tpu.memory_space<vmem>>
      %dma_start3A_167 = arith.constant 0 : i32
      %dma_start3A_168 = arith.constant 0 : i32
      %dma_start3A_169 = tpu.memref_slice %arg2[%dma_start3A_167, %dma_start3A_168] : memref<1000000x64xf32, #tpu.memory_space<hbm>> -> memref<1000000x64xf32, #tpu.memory_space<hbm>>
      %dma_start3A_170 = tpu.memref_slice %arg7[%dma_start3A_161] : memref<8x!tpu.dma_semaphore, #tpu.memory_space<semaphore_mem>> -> memref<1x!tpu.dma_semaphore, #tpu.memory_space<semaphore_mem>>
      %dma_start3A_171 = tpu.memref_squeeze %dma_start3A_170 : memref<1x!tpu.dma_semaphore, #tpu.memory_space<semaphore_mem>> -> memref<!tpu.dma_semaphore, #tpu.memory_space<semaphore_mem>>
      tpu.enqueue_indirect_dma source(%dma_start3A_169 : memref<1000000x64xf32, #tpu.memory_space<hbm>>) target(%dma_start3A_165 : memref<128x64xf32, #tpu.memory_space<vmem>>) offsets(%dma_start3A_166 : memref<128xi32, #tpu.memory_space<vmem>>) semaphore(%dma_start3A_171 : memref<!tpu.dma_semaphore, #tpu.memory_space<semaphore_mem>>)
      %gt3A_172 = arith.constant 0 : i32
      %gt3A_173 = arith.cmpi sgt, %add3A_154, %gt3A_172 : i32
      %convert_element_type3A_174 = arith.extui %gt3A_173 : i1 to i32
      %cond3A_175 = arith.constant 0 : i32
      %cond3A_176 = arith.cmpi ne, %convert_element_type3A_174, %cond3A_175 : i32
      scf.if %cond3A_176 {
        %sub3A = arith.constant 8 : i32
        %sub3A_655 = arith.subi %add3A_154, %sub3A : i32
        %add3A_656 = arith.constant 1 : i32
        %add3A_657 = arith.addi %sub3A_655, %add3A_656 : i32
        %mul3A_658 = arith.constant 128 : i32
        %mul3A_659 = arith.muli %add3A_657, %mul3A_658 : i32
        %add3A_660 = arith.addi %mul3A_2, %mul3A_659 : i32
        %dma_wait3A_661 = arith.constant 1 : i32
        %dma_wait3A_662 = arith.constant 1 : i32
        %dma_wait3A_663 = arith.constant 0 : i32
        %dma_wait3A_664 = arith.constant 0 : i32
        %dma_wait3A_665 = tpu.memref_slice %arg6[%dma_wait3A_661, %dma_wait3A_663, %dma_wait3A_664] : memref<8x128x64xf32, #tpu.memory_space<vmem>> -> memref<1x128x64xf32, #tpu.memory_space<vmem>>
        %dma_wait3A_666 = tpu.memref_squeeze %dma_wait3A_665 : memref<1x128x64xf32, #tpu.memory_space<vmem>> -> memref<128x64xf32, #tpu.memory_space<vmem>>
        %dma_wait3A_667 = arith.constant 0 : i32
        %dma_wait3A_668 = tpu.memref_slice %arg4[%add3A_660, %dma_wait3A_667] : memref<819200x64xf32, #tpu.memory_space<hbm>> -> memref<128x64xf32, #tpu.memory_space<hbm>>
        %dma_wait3A_669 = tpu.memref_slice %arg8[%dma_wait3A_662] : memref<8x!tpu.dma_semaphore, #tpu.memory_space<semaphore_mem>> -> memref<1x!tpu.dma_semaphore, #tpu.memory_space<semaphore_mem>>
        %dma_wait3A_670 = tpu.memref_squeeze %dma_wait3A_669 : memref<1x!tpu.dma_semaphore, #tpu.memory_space<semaphore_mem>> -> memref<!tpu.dma_semaphore, #tpu.memory_space<semaphore_mem>>
        %dma_wait3A_671 = arith.constant 0 : i32
        %dma_wait3A_672 = tpu.memref_slice %arg4[%add3A_660, %dma_wait3A_671] : memref<819200x64xf32, #tpu.memory_space<hbm>> -> memref<128x64xf32, #tpu.memory_space<hbm>>
        %dma_wait3A_673 = arith.constant 0 : i32
        %dma_wait3A_674 = arith.constant 0 : i32
        %dma_wait3A_675 = tpu.memref_slice %arg6[%dma_wait3A_661, %dma_wait3A_673, %dma_wait3A_674] : memref<8x128x64xf32, #tpu.memory_space<vmem>> -> memref<1x128x64xf32, #tpu.memory_space<vmem>>
        %dma_wait3A_676 = tpu.memref_squeeze %dma_wait3A_675 : memref<1x128x64xf32, #tpu.memory_space<vmem>> -> memref<128x64xf32, #tpu.memory_space<vmem>>
        tpu.wait_dma2 semaphore(%dma_wait3A_670 : memref<!tpu.dma_semaphore, #tpu.memory_space<semaphore_mem>>) src(%dma_wait3A_676 : memref<128x64xf32, #tpu.memory_space<vmem>>) dst(%dma_wait3A_672 : memref<128x64xf32, #tpu.memory_space<hbm>>)
      } else {
      }
      %add3A_177 = arith.constant 1 : i32
      %add3A_178 = arith.addi %add3A_154, %add3A_177 : i32
      %mul3A_179 = arith.constant 128 : i32
      %mul3A_180 = arith.muli %add3A_178, %mul3A_179 : i32
      %dma_start3A_181 = arith.constant 1 : i32
      %dma_start3A_182 = arith.constant 1 : i32
      %dma_start3A_183 = arith.constant 0 : i32
      %dma_start3A_184 = arith.constant 0 : i32
      %dma_start3A_185 = tpu.memref_slice %arg6[%dma_start3A_181, %dma_start3A_183, %dma_start3A_184] : memref<8x128x64xf32, #tpu.memory_space<vmem>> -> memref<1x128x64xf32, #tpu.memory_space<vmem>>
      %dma_start3A_186 = tpu.memref_squeeze %dma_start3A_185 : memref<1x128x64xf32, #tpu.memory_space<vmem>> -> memref<128x64xf32, #tpu.memory_space<vmem>>
      %dma_start3A_187 = tpu.memref_slice %arg5[%mul3A_180] : memref<25600xi32, #tpu.memory_space<vmem>> -> memref<128xi32, #tpu.memory_space<vmem>>
      %dma_start3A_188 = arith.constant 0 : i32
      %dma_start3A_189 = arith.constant 0 : i32
      %dma_start3A_190 = tpu.memref_slice %arg2[%dma_start3A_188, %dma_start3A_189] : memref<1000000x64xf32, #tpu.memory_space<hbm>> -> memref<1000000x64xf32, #tpu.memory_space<hbm>>
      %dma_start3A_191 = tpu.memref_slice %arg7[%dma_start3A_182] : memref<8x!tpu.dma_semaphore, #tpu.memory_space<semaphore_mem>> -> memref<1x!tpu.dma_semaphore, #tpu.memory_space<semaphore_mem>>
      %dma_start3A_192 = tpu.memref_squeeze %dma_start3A_191 : memref<1x!tpu.dma_semaphore, #tpu.memory_space<semaphore_mem>> -> memref<!tpu.dma_semaphore, #tpu.memory_space<semaphore_mem>>
      tpu.enqueue_indirect_dma source(%dma_start3A_190 : memref<1000000x64xf32, #tpu.memory_space<hbm>>) target(%dma_start3A_186 : memref<128x64xf32, #tpu.memory_space<vmem>>) offsets(%dma_start3A_187 : memref<128xi32, #tpu.memory_space<vmem>>) semaphore(%dma_start3A_192 : memref<!tpu.dma_semaphore, #tpu.memory_space<semaphore_mem>>)
      %gt3A_193 = arith.constant 0 : i32
      %gt3A_194 = arith.cmpi sgt, %add3A_154, %gt3A_193 : i32
      %convert_element_type3A_195 = arith.extui %gt3A_194 : i1 to i32
      %cond3A_196 = arith.constant 0 : i32
      %cond3A_197 = arith.cmpi ne, %convert_element_type3A_195, %cond3A_196 : i32
      scf.if %cond3A_197 {
        %sub3A = arith.constant 8 : i32
        %sub3A_655 = arith.subi %add3A_154, %sub3A : i32
        %add3A_656 = arith.constant 2 : i32
        %add3A_657 = arith.addi %sub3A_655, %add3A_656 : i32
        %mul3A_658 = arith.constant 128 : i32
        %mul3A_659 = arith.muli %add3A_657, %mul3A_658 : i32
        %add3A_660 = arith.addi %mul3A_2, %mul3A_659 : i32
        %dma_wait3A_661 = arith.constant 2 : i32
        %dma_wait3A_662 = arith.constant 2 : i32
        %dma_wait3A_663 = arith.constant 0 : i32
        %dma_wait3A_664 = arith.constant 0 : i32
        %dma_wait3A_665 = tpu.memref_slice %arg6[%dma_wait3A_661, %dma_wait3A_663, %dma_wait3A_664] : memref<8x128x64xf32, #tpu.memory_space<vmem>> -> memref<1x128x64xf32, #tpu.memory_space<vmem>>
        %dma_wait3A_666 = tpu.memref_squeeze %dma_wait3A_665 : memref<1x128x64xf32, #tpu.memory_space<vmem>> -> memref<128x64xf32, #tpu.memory_space<vmem>>
        %dma_wait3A_667 = arith.constant 0 : i32
        %dma_wait3A_668 = tpu.memref_slice %arg4[%add3A_660, %dma_wait3A_667] : memref<819200x64xf32, #tpu.memory_space<hbm>> -> memref<128x64xf32, #tpu.memory_space<hbm>>
        %dma_wait3A_669 = tpu.memref_slice %arg8[%dma_wait3A_662] : memref<8x!tpu.dma_semaphore, #tpu.memory_space<semaphore_mem>> -> memref<1x!tpu.dma_semaphore, #tpu.memory_space<semaphore_mem>>
        %dma_wait3A_670 = tpu.memref_squeeze %dma_wait3A_669 : memref<1x!tpu.dma_semaphore, #tpu.memory_space<semaphore_mem>> -> memref<!tpu.dma_semaphore, #tpu.memory_space<semaphore_mem>>
        %dma_wait3A_671 = arith.constant 0 : i32
        %dma_wait3A_672 = tpu.memref_slice %arg4[%add3A_660, %dma_wait3A_671] : memref<819200x64xf32, #tpu.memory_space<hbm>> -> memref<128x64xf32, #tpu.memory_space<hbm>>
        %dma_wait3A_673 = arith.constant 0 : i32
        %dma_wait3A_674 = arith.constant 0 : i32
        %dma_wait3A_675 = tpu.memref_slice %arg6[%dma_wait3A_661, %dma_wait3A_673, %dma_wait3A_674] : memref<8x128x64xf32, #tpu.memory_space<vmem>> -> memref<1x128x64xf32, #tpu.memory_space<vmem>>
        %dma_wait3A_676 = tpu.memref_squeeze %dma_wait3A_675 : memref<1x128x64xf32, #tpu.memory_space<vmem>> -> memref<128x64xf32, #tpu.memory_space<vmem>>
        tpu.wait_dma2 semaphore(%dma_wait3A_670 : memref<!tpu.dma_semaphore, #tpu.memory_space<semaphore_mem>>) src(%dma_wait3A_676 : memref<128x64xf32, #tpu.memory_space<vmem>>) dst(%dma_wait3A_672 : memref<128x64xf32, #tpu.memory_space<hbm>>)
      } else {
      }
      %add3A_198 = arith.constant 2 : i32
      %add3A_199 = arith.addi %add3A_154, %add3A_198 : i32
      %mul3A_200 = arith.constant 128 : i32
      %mul3A_201 = arith.muli %add3A_199, %mul3A_200 : i32
      %dma_start3A_202 = arith.constant 2 : i32
      %dma_start3A_203 = arith.constant 2 : i32
      %dma_start3A_204 = arith.constant 0 : i32
      %dma_start3A_205 = arith.constant 0 : i32
      %dma_start3A_206 = tpu.memref_slice %arg6[%dma_start3A_202, %dma_start3A_204, %dma_start3A_205] : memref<8x128x64xf32, #tpu.memory_space<vmem>> -> memref<1x128x64xf32, #tpu.memory_space<vmem>>
      %dma_start3A_207 = tpu.memref_squeeze %dma_start3A_206 : memref<1x128x64xf32, #tpu.memory_space<vmem>> -> memref<128x64xf32, #tpu.memory_space<vmem>>
      %dma_start3A_208 = tpu.memref_slice %arg5[%mul3A_201] : memref<25600xi32, #tpu.memory_space<vmem>> -> memref<128xi32, #tpu.memory_space<vmem>>
      %dma_start3A_209 = arith.constant 0 : i32
      %dma_start3A_210 = arith.constant 0 : i32
      %dma_start3A_211 = tpu.memref_slice %arg2[%dma_start3A_209, %dma_start3A_210] : memref<1000000x64xf32, #tpu.memory_space<hbm>> -> memref<1000000x64xf32, #tpu.memory_space<hbm>>
      %dma_start3A_212 = tpu.memref_slice %arg7[%dma_start3A_203] : memref<8x!tpu.dma_semaphore, #tpu.memory_space<semaphore_mem>> -> memref<1x!tpu.dma_semaphore, #tpu.memory_space<semaphore_mem>>
      %dma_start3A_213 = tpu.memref_squeeze %dma_start3A_212 : memref<1x!tpu.dma_semaphore, #tpu.memory_space<semaphore_mem>> -> memref<!tpu.dma_semaphore, #tpu.memory_space<semaphore_mem>>
      tpu.enqueue_indirect_dma source(%dma_start3A_211 : memref<1000000x64xf32, #tpu.memory_space<hbm>>) target(%dma_start3A_207 : memref<128x64xf32, #tpu.memory_space<vmem>>) offsets(%dma_start3A_208 : memref<128xi32, #tpu.memory_space<vmem>>) semaphore(%dma_start3A_213 : memref<!tpu.dma_semaphore, #tpu.memory_space<semaphore_mem>>)
      %gt3A_214 = arith.constant 0 : i32
      %gt3A_215 = arith.cmpi sgt, %add3A_154, %gt3A_214 : i32
      %convert_element_type3A_216 = arith.extui %gt3A_215 : i1 to i32
      %cond3A_217 = arith.constant 0 : i32
      %cond3A_218 = arith.cmpi ne, %convert_element_type3A_216, %cond3A_217 : i32
      scf.if %cond3A_218 {
        %sub3A = arith.constant 8 : i32
        %sub3A_655 = arith.subi %add3A_154, %sub3A : i32
        %add3A_656 = arith.constant 3 : i32
        %add3A_657 = arith.addi %sub3A_655, %add3A_656 : i32
        %mul3A_658 = arith.constant 128 : i32
        %mul3A_659 = arith.muli %add3A_657, %mul3A_658 : i32
        %add3A_660 = arith.addi %mul3A_2, %mul3A_659 : i32
        %dma_wait3A_661 = arith.constant 3 : i32
        %dma_wait3A_662 = arith.constant 3 : i32
        %dma_wait3A_663 = arith.constant 0 : i32
        %dma_wait3A_664 = arith.constant 0 : i32
        %dma_wait3A_665 = tpu.memref_slice %arg6[%dma_wait3A_661, %dma_wait3A_663, %dma_wait3A_664] : memref<8x128x64xf32, #tpu.memory_space<vmem>> -> memref<1x128x64xf32, #tpu.memory_space<vmem>>
        %dma_wait3A_666 = tpu.memref_squeeze %dma_wait3A_665 : memref<1x128x64xf32, #tpu.memory_space<vmem>> -> memref<128x64xf32, #tpu.memory_space<vmem>>
        %dma_wait3A_667 = arith.constant 0 : i32
        %dma_wait3A_668 = tpu.memref_slice %arg4[%add3A_660, %dma_wait3A_667] : memref<819200x64xf32, #tpu.memory_space<hbm>> -> memref<128x64xf32, #tpu.memory_space<hbm>>
        %dma_wait3A_669 = tpu.memref_slice %arg8[%dma_wait3A_662] : memref<8x!tpu.dma_semaphore, #tpu.memory_space<semaphore_mem>> -> memref<1x!tpu.dma_semaphore, #tpu.memory_space<semaphore_mem>>
        %dma_wait3A_670 = tpu.memref_squeeze %dma_wait3A_669 : memref<1x!tpu.dma_semaphore, #tpu.memory_space<semaphore_mem>> -> memref<!tpu.dma_semaphore, #tpu.memory_space<semaphore_mem>>
        %dma_wait3A_671 = arith.constant 0 : i32
        %dma_wait3A_672 = tpu.memref_slice %arg4[%add3A_660, %dma_wait3A_671] : memref<819200x64xf32, #tpu.memory_space<hbm>> -> memref<128x64xf32, #tpu.memory_space<hbm>>
        %dma_wait3A_673 = arith.constant 0 : i32
        %dma_wait3A_674 = arith.constant 0 : i32
        %dma_wait3A_675 = tpu.memref_slice %arg6[%dma_wait3A_661, %dma_wait3A_673, %dma_wait3A_674] : memref<8x128x64xf32, #tpu.memory_space<vmem>> -> memref<1x128x64xf32, #tpu.memory_space<vmem>>
        %dma_wait3A_676 = tpu.memref_squeeze %dma_wait3A_675 : memref<1x128x64xf32, #tpu.memory_space<vmem>> -> memref<128x64xf32, #tpu.memory_space<vmem>>
        tpu.wait_dma2 semaphore(%dma_wait3A_670 : memref<!tpu.dma_semaphore, #tpu.memory_space<semaphore_mem>>) src(%dma_wait3A_676 : memref<128x64xf32, #tpu.memory_space<vmem>>) dst(%dma_wait3A_672 : memref<128x64xf32, #tpu.memory_space<hbm>>)
      } else {
      }
      %add3A_219 = arith.constant 3 : i32
      %add3A_220 = arith.addi %add3A_154, %add3A_219 : i32
      %mul3A_221 = arith.constant 128 : i32
      %mul3A_222 = arith.muli %add3A_220, %mul3A_221 : i32
      %dma_start3A_223 = arith.constant 3 : i32
      %dma_start3A_224 = arith.constant 3 : i32
      %dma_start3A_225 = arith.constant 0 : i32
      %dma_start3A_226 = arith.constant 0 : i32
      %dma_start3A_227 = tpu.memref_slice %arg6[%dma_start3A_223, %dma_start3A_225, %dma_start3A_226] : memref<8x128x64xf32, #tpu.memory_space<vmem>> -> memref<1x128x64xf32, #tpu.memory_space<vmem>>
      %dma_start3A_228 = tpu.memref_squeeze %dma_start3A_227 : memref<1x128x64xf32, #tpu.memory_space<vmem>> -> memref<128x64xf32, #tpu.memory_space<vmem>>
      %dma_start3A_229 = tpu.memref_slice %arg5[%mul3A_222] : memref<25600xi32, #tpu.memory_space<vmem>> -> memref<128xi32, #tpu.memory_space<vmem>>
      %dma_start3A_230 = arith.constant 0 : i32
      %dma_start3A_231 = arith.constant 0 : i32
      %dma_start3A_232 = tpu.memref_slice %arg2[%dma_start3A_230, %dma_start3A_231] : memref<1000000x64xf32, #tpu.memory_space<hbm>> -> memref<1000000x64xf32, #tpu.memory_space<hbm>>
      %dma_start3A_233 = tpu.memref_slice %arg7[%dma_start3A_224] : memref<8x!tpu.dma_semaphore, #tpu.memory_space<semaphore_mem>> -> memref<1x!tpu.dma_semaphore, #tpu.memory_space<semaphore_mem>>
      %dma_start3A_234 = tpu.memref_squeeze %dma_start3A_233 : memref<1x!tpu.dma_semaphore, #tpu.memory_space<semaphore_mem>> -> memref<!tpu.dma_semaphore, #tpu.memory_space<semaphore_mem>>
      tpu.enqueue_indirect_dma source(%dma_start3A_232 : memref<1000000x64xf32, #tpu.memory_space<hbm>>) target(%dma_start3A_228 : memref<128x64xf32, #tpu.memory_space<vmem>>) offsets(%dma_start3A_229 : memref<128xi32, #tpu.memory_space<vmem>>) semaphore(%dma_start3A_234 : memref<!tpu.dma_semaphore, #tpu.memory_space<semaphore_mem>>)
      %gt3A_235 = arith.constant 0 : i32
      %gt3A_236 = arith.cmpi sgt, %add3A_154, %gt3A_235 : i32
      %convert_element_type3A_237 = arith.extui %gt3A_236 : i1 to i32
      %cond3A_238 = arith.constant 0 : i32
      %cond3A_239 = arith.cmpi ne, %convert_element_type3A_237, %cond3A_238 : i32
      scf.if %cond3A_239 {
        %sub3A = arith.constant 8 : i32
        %sub3A_655 = arith.subi %add3A_154, %sub3A : i32
        %add3A_656 = arith.constant 4 : i32
        %add3A_657 = arith.addi %sub3A_655, %add3A_656 : i32
        %mul3A_658 = arith.constant 128 : i32
        %mul3A_659 = arith.muli %add3A_657, %mul3A_658 : i32
        %add3A_660 = arith.addi %mul3A_2, %mul3A_659 : i32
        %dma_wait3A_661 = arith.constant 4 : i32
        %dma_wait3A_662 = arith.constant 4 : i32
        %dma_wait3A_663 = arith.constant 0 : i32
        %dma_wait3A_664 = arith.constant 0 : i32
        %dma_wait3A_665 = tpu.memref_slice %arg6[%dma_wait3A_661, %dma_wait3A_663, %dma_wait3A_664] : memref<8x128x64xf32, #tpu.memory_space<vmem>> -> memref<1x128x64xf32, #tpu.memory_space<vmem>>
        %dma_wait3A_666 = tpu.memref_squeeze %dma_wait3A_665 : memref<1x128x64xf32, #tpu.memory_space<vmem>> -> memref<128x64xf32, #tpu.memory_space<vmem>>
        %dma_wait3A_667 = arith.constant 0 : i32
        %dma_wait3A_668 = tpu.memref_slice %arg4[%add3A_660, %dma_wait3A_667] : memref<819200x64xf32, #tpu.memory_space<hbm>> -> memref<128x64xf32, #tpu.memory_space<hbm>>
        %dma_wait3A_669 = tpu.memref_slice %arg8[%dma_wait3A_662] : memref<8x!tpu.dma_semaphore, #tpu.memory_space<semaphore_mem>> -> memref<1x!tpu.dma_semaphore, #tpu.memory_space<semaphore_mem>>
        %dma_wait3A_670 = tpu.memref_squeeze %dma_wait3A_669 : memref<1x!tpu.dma_semaphore, #tpu.memory_space<semaphore_mem>> -> memref<!tpu.dma_semaphore, #tpu.memory_space<semaphore_mem>>
        %dma_wait3A_671 = arith.constant 0 : i32
        %dma_wait3A_672 = tpu.memref_slice %arg4[%add3A_660, %dma_wait3A_671] : memref<819200x64xf32, #tpu.memory_space<hbm>> -> memref<128x64xf32, #tpu.memory_space<hbm>>
        %dma_wait3A_673 = arith.constant 0 : i32
        %dma_wait3A_674 = arith.constant 0 : i32
        %dma_wait3A_675 = tpu.memref_slice %arg6[%dma_wait3A_661, %dma_wait3A_673, %dma_wait3A_674] : memref<8x128x64xf32, #tpu.memory_space<vmem>> -> memref<1x128x64xf32, #tpu.memory_space<vmem>>
        %dma_wait3A_676 = tpu.memref_squeeze %dma_wait3A_675 : memref<1x128x64xf32, #tpu.memory_space<vmem>> -> memref<128x64xf32, #tpu.memory_space<vmem>>
        tpu.wait_dma2 semaphore(%dma_wait3A_670 : memref<!tpu.dma_semaphore, #tpu.memory_space<semaphore_mem>>) src(%dma_wait3A_676 : memref<128x64xf32, #tpu.memory_space<vmem>>) dst(%dma_wait3A_672 : memref<128x64xf32, #tpu.memory_space<hbm>>)
      } else {
      }
      %add3A_240 = arith.constant 4 : i32
      %add3A_241 = arith.addi %add3A_154, %add3A_240 : i32
      %mul3A_242 = arith.constant 128 : i32
      %mul3A_243 = arith.muli %add3A_241, %mul3A_242 : i32
      %dma_start3A_244 = arith.constant 4 : i32
      %dma_start3A_245 = arith.constant 4 : i32
      %dma_start3A_246 = arith.constant 0 : i32
      %dma_start3A_247 = arith.constant 0 : i32
      %dma_start3A_248 = tpu.memref_slice %arg6[%dma_start3A_244, %dma_start3A_246, %dma_start3A_247] : memref<8x128x64xf32, #tpu.memory_space<vmem>> -> memref<1x128x64xf32, #tpu.memory_space<vmem>>
      %dma_start3A_249 = tpu.memref_squeeze %dma_start3A_248 : memref<1x128x64xf32, #tpu.memory_space<vmem>> -> memref<128x64xf32, #tpu.memory_space<vmem>>
      %dma_start3A_250 = tpu.memref_slice %arg5[%mul3A_243] : memref<25600xi32, #tpu.memory_space<vmem>> -> memref<128xi32, #tpu.memory_space<vmem>>
      %dma_start3A_251 = arith.constant 0 : i32
      %dma_start3A_252 = arith.constant 0 : i32
      %dma_start3A_253 = tpu.memref_slice %arg2[%dma_start3A_251, %dma_start3A_252] : memref<1000000x64xf32, #tpu.memory_space<hbm>> -> memref<1000000x64xf32, #tpu.memory_space<hbm>>
      %dma_start3A_254 = tpu.memref_slice %arg7[%dma_start3A_245] : memref<8x!tpu.dma_semaphore, #tpu.memory_space<semaphore_mem>> -> memref<1x!tpu.dma_semaphore, #tpu.memory_space<semaphore_mem>>
      %dma_start3A_255 = tpu.memref_squeeze %dma_start3A_254 : memref<1x!tpu.dma_semaphore, #tpu.memory_space<semaphore_mem>> -> memref<!tpu.dma_semaphore, #tpu.memory_space<semaphore_mem>>
      tpu.enqueue_indirect_dma source(%dma_start3A_253 : memref<1000000x64xf32, #tpu.memory_space<hbm>>) target(%dma_start3A_249 : memref<128x64xf32, #tpu.memory_space<vmem>>) offsets(%dma_start3A_250 : memref<128xi32, #tpu.memory_space<vmem>>) semaphore(%dma_start3A_255 : memref<!tpu.dma_semaphore, #tpu.memory_space<semaphore_mem>>)
      %gt3A_256 = arith.constant 0 : i32
      %gt3A_257 = arith.cmpi sgt, %add3A_154, %gt3A_256 : i32
      %convert_element_type3A_258 = arith.extui %gt3A_257 : i1 to i32
      %cond3A_259 = arith.constant 0 : i32
      %cond3A_260 = arith.cmpi ne, %convert_element_type3A_258, %cond3A_259 : i32
      scf.if %cond3A_260 {
        %sub3A = arith.constant 8 : i32
        %sub3A_655 = arith.subi %add3A_154, %sub3A : i32
        %add3A_656 = arith.constant 5 : i32
        %add3A_657 = arith.addi %sub3A_655, %add3A_656 : i32
        %mul3A_658 = arith.constant 128 : i32
        %mul3A_659 = arith.muli %add3A_657, %mul3A_658 : i32
        %add3A_660 = arith.addi %mul3A_2, %mul3A_659 : i32
        %dma_wait3A_661 = arith.constant 5 : i32
        %dma_wait3A_662 = arith.constant 5 : i32
        %dma_wait3A_663 = arith.constant 0 : i32
        %dma_wait3A_664 = arith.constant 0 : i32
        %dma_wait3A_665 = tpu.memref_slice %arg6[%dma_wait3A_661, %dma_wait3A_663, %dma_wait3A_664] : memref<8x128x64xf32, #tpu.memory_space<vmem>> -> memref<1x128x64xf32, #tpu.memory_space<vmem>>
        %dma_wait3A_666 = tpu.memref_squeeze %dma_wait3A_665 : memref<1x128x64xf32, #tpu.memory_space<vmem>> -> memref<128x64xf32, #tpu.memory_space<vmem>>
        %dma_wait3A_667 = arith.constant 0 : i32
        %dma_wait3A_668 = tpu.memref_slice %arg4[%add3A_660, %dma_wait3A_667] : memref<819200x64xf32, #tpu.memory_space<hbm>> -> memref<128x64xf32, #tpu.memory_space<hbm>>
        %dma_wait3A_669 = tpu.memref_slice %arg8[%dma_wait3A_662] : memref<8x!tpu.dma_semaphore, #tpu.memory_space<semaphore_mem>> -> memref<1x!tpu.dma_semaphore, #tpu.memory_space<semaphore_mem>>
        %dma_wait3A_670 = tpu.memref_squeeze %dma_wait3A_669 : memref<1x!tpu.dma_semaphore, #tpu.memory_space<semaphore_mem>> -> memref<!tpu.dma_semaphore, #tpu.memory_space<semaphore_mem>>
        %dma_wait3A_671 = arith.constant 0 : i32
        %dma_wait3A_672 = tpu.memref_slice %arg4[%add3A_660, %dma_wait3A_671] : memref<819200x64xf32, #tpu.memory_space<hbm>> -> memref<128x64xf32, #tpu.memory_space<hbm>>
        %dma_wait3A_673 = arith.constant 0 : i32
        %dma_wait3A_674 = arith.constant 0 : i32
        %dma_wait3A_675 = tpu.memref_slice %arg6[%dma_wait3A_661, %dma_wait3A_673, %dma_wait3A_674] : memref<8x128x64xf32, #tpu.memory_space<vmem>> -> memref<1x128x64xf32, #tpu.memory_space<vmem>>
        %dma_wait3A_676 = tpu.memref_squeeze %dma_wait3A_675 : memref<1x128x64xf32, #tpu.memory_space<vmem>> -> memref<128x64xf32, #tpu.memory_space<vmem>>
        tpu.wait_dma2 semaphore(%dma_wait3A_670 : memref<!tpu.dma_semaphore, #tpu.memory_space<semaphore_mem>>) src(%dma_wait3A_676 : memref<128x64xf32, #tpu.memory_space<vmem>>) dst(%dma_wait3A_672 : memref<128x64xf32, #tpu.memory_space<hbm>>)
      } else {
      }
      %add3A_261 = arith.constant 5 : i32
      %add3A_262 = arith.addi %add3A_154, %add3A_261 : i32
      %mul3A_263 = arith.constant 128 : i32
      %mul3A_264 = arith.muli %add3A_262, %mul3A_263 : i32
      %dma_start3A_265 = arith.constant 5 : i32
      %dma_start3A_266 = arith.constant 5 : i32
      %dma_start3A_267 = arith.constant 0 : i32
      %dma_start3A_268 = arith.constant 0 : i32
      %dma_start3A_269 = tpu.memref_slice %arg6[%dma_start3A_265, %dma_start3A_267, %dma_start3A_268] : memref<8x128x64xf32, #tpu.memory_space<vmem>> -> memref<1x128x64xf32, #tpu.memory_space<vmem>>
      %dma_start3A_270 = tpu.memref_squeeze %dma_start3A_269 : memref<1x128x64xf32, #tpu.memory_space<vmem>> -> memref<128x64xf32, #tpu.memory_space<vmem>>
      %dma_start3A_271 = tpu.memref_slice %arg5[%mul3A_264] : memref<25600xi32, #tpu.memory_space<vmem>> -> memref<128xi32, #tpu.memory_space<vmem>>
      %dma_start3A_272 = arith.constant 0 : i32
      %dma_start3A_273 = arith.constant 0 : i32
      %dma_start3A_274 = tpu.memref_slice %arg2[%dma_start3A_272, %dma_start3A_273] : memref<1000000x64xf32, #tpu.memory_space<hbm>> -> memref<1000000x64xf32, #tpu.memory_space<hbm>>
      %dma_start3A_275 = tpu.memref_slice %arg7[%dma_start3A_266] : memref<8x!tpu.dma_semaphore, #tpu.memory_space<semaphore_mem>> -> memref<1x!tpu.dma_semaphore, #tpu.memory_space<semaphore_mem>>
      %dma_start3A_276 = tpu.memref_squeeze %dma_start3A_275 : memref<1x!tpu.dma_semaphore, #tpu.memory_space<semaphore_mem>> -> memref<!tpu.dma_semaphore, #tpu.memory_space<semaphore_mem>>
      tpu.enqueue_indirect_dma source(%dma_start3A_274 : memref<1000000x64xf32, #tpu.memory_space<hbm>>) target(%dma_start3A_270 : memref<128x64xf32, #tpu.memory_space<vmem>>) offsets(%dma_start3A_271 : memref<128xi32, #tpu.memory_space<vmem>>) semaphore(%dma_start3A_276 : memref<!tpu.dma_semaphore, #tpu.memory_space<semaphore_mem>>)
      %gt3A_277 = arith.constant 0 : i32
      %gt3A_278 = arith.cmpi sgt, %add3A_154, %gt3A_277 : i32
      %convert_element_type3A_279 = arith.extui %gt3A_278 : i1 to i32
      %cond3A_280 = arith.constant 0 : i32
      %cond3A_281 = arith.cmpi ne, %convert_element_type3A_279, %cond3A_280 : i32
      scf.if %cond3A_281 {
        %sub3A = arith.constant 8 : i32
        %sub3A_655 = arith.subi %add3A_154, %sub3A : i32
        %add3A_656 = arith.constant 6 : i32
        %add3A_657 = arith.addi %sub3A_655, %add3A_656 : i32
        %mul3A_658 = arith.constant 128 : i32
        %mul3A_659 = arith.muli %add3A_657, %mul3A_658 : i32
        %add3A_660 = arith.addi %mul3A_2, %mul3A_659 : i32
        %dma_wait3A_661 = arith.constant 6 : i32
        %dma_wait3A_662 = arith.constant 6 : i32
        %dma_wait3A_663 = arith.constant 0 : i32
        %dma_wait3A_664 = arith.constant 0 : i32
        %dma_wait3A_665 = tpu.memref_slice %arg6[%dma_wait3A_661, %dma_wait3A_663, %dma_wait3A_664] : memref<8x128x64xf32, #tpu.memory_space<vmem>> -> memref<1x128x64xf32, #tpu.memory_space<vmem>>
        %dma_wait3A_666 = tpu.memref_squeeze %dma_wait3A_665 : memref<1x128x64xf32, #tpu.memory_space<vmem>> -> memref<128x64xf32, #tpu.memory_space<vmem>>
        %dma_wait3A_667 = arith.constant 0 : i32
        %dma_wait3A_668 = tpu.memref_slice %arg4[%add3A_660, %dma_wait3A_667] : memref<819200x64xf32, #tpu.memory_space<hbm>> -> memref<128x64xf32, #tpu.memory_space<hbm>>
        %dma_wait3A_669 = tpu.memref_slice %arg8[%dma_wait3A_662] : memref<8x!tpu.dma_semaphore, #tpu.memory_space<semaphore_mem>> -> memref<1x!tpu.dma_semaphore, #tpu.memory_space<semaphore_mem>>
        %dma_wait3A_670 = tpu.memref_squeeze %dma_wait3A_669 : memref<1x!tpu.dma_semaphore, #tpu.memory_space<semaphore_mem>> -> memref<!tpu.dma_semaphore, #tpu.memory_space<semaphore_mem>>
        %dma_wait3A_671 = arith.constant 0 : i32
        %dma_wait3A_672 = tpu.memref_slice %arg4[%add3A_660, %dma_wait3A_671] : memref<819200x64xf32, #tpu.memory_space<hbm>> -> memref<128x64xf32, #tpu.memory_space<hbm>>
        %dma_wait3A_673 = arith.constant 0 : i32
        %dma_wait3A_674 = arith.constant 0 : i32
        %dma_wait3A_675 = tpu.memref_slice %arg6[%dma_wait3A_661, %dma_wait3A_673, %dma_wait3A_674] : memref<8x128x64xf32, #tpu.memory_space<vmem>> -> memref<1x128x64xf32, #tpu.memory_space<vmem>>
        %dma_wait3A_676 = tpu.memref_squeeze %dma_wait3A_675 : memref<1x128x64xf32, #tpu.memory_space<vmem>> -> memref<128x64xf32, #tpu.memory_space<vmem>>
        tpu.wait_dma2 semaphore(%dma_wait3A_670 : memref<!tpu.dma_semaphore, #tpu.memory_space<semaphore_mem>>) src(%dma_wait3A_676 : memref<128x64xf32, #tpu.memory_space<vmem>>) dst(%dma_wait3A_672 : memref<128x64xf32, #tpu.memory_space<hbm>>)
      } else {
      }
      %add3A_282 = arith.constant 6 : i32
      %add3A_283 = arith.addi %add3A_154, %add3A_282 : i32
      %mul3A_284 = arith.constant 128 : i32
      %mul3A_285 = arith.muli %add3A_283, %mul3A_284 : i32
      %dma_start3A_286 = arith.constant 6 : i32
      %dma_start3A_287 = arith.constant 6 : i32
      %dma_start3A_288 = arith.constant 0 : i32
      %dma_start3A_289 = arith.constant 0 : i32
      %dma_start3A_290 = tpu.memref_slice %arg6[%dma_start3A_286, %dma_start3A_288, %dma_start3A_289] : memref<8x128x64xf32, #tpu.memory_space<vmem>> -> memref<1x128x64xf32, #tpu.memory_space<vmem>>
      %dma_start3A_291 = tpu.memref_squeeze %dma_start3A_290 : memref<1x128x64xf32, #tpu.memory_space<vmem>> -> memref<128x64xf32, #tpu.memory_space<vmem>>
      %dma_start3A_292 = tpu.memref_slice %arg5[%mul3A_285] : memref<25600xi32, #tpu.memory_space<vmem>> -> memref<128xi32, #tpu.memory_space<vmem>>
      %dma_start3A_293 = arith.constant 0 : i32
      %dma_start3A_294 = arith.constant 0 : i32
      %dma_start3A_295 = tpu.memref_slice %arg2[%dma_start3A_293, %dma_start3A_294] : memref<1000000x64xf32, #tpu.memory_space<hbm>> -> memref<1000000x64xf32, #tpu.memory_space<hbm>>
      %dma_start3A_296 = tpu.memref_slice %arg7[%dma_start3A_287] : memref<8x!tpu.dma_semaphore, #tpu.memory_space<semaphore_mem>> -> memref<1x!tpu.dma_semaphore, #tpu.memory_space<semaphore_mem>>
      %dma_start3A_297 = tpu.memref_squeeze %dma_start3A_296 : memref<1x!tpu.dma_semaphore, #tpu.memory_space<semaphore_mem>> -> memref<!tpu.dma_semaphore, #tpu.memory_space<semaphore_mem>>
      tpu.enqueue_indirect_dma source(%dma_start3A_295 : memref<1000000x64xf32, #tpu.memory_space<hbm>>) target(%dma_start3A_291 : memref<128x64xf32, #tpu.memory_space<vmem>>) offsets(%dma_start3A_292 : memref<128xi32, #tpu.memory_space<vmem>>) semaphore(%dma_start3A_297 : memref<!tpu.dma_semaphore, #tpu.memory_space<semaphore_mem>>)
      %gt3A_298 = arith.constant 0 : i32
      %gt3A_299 = arith.cmpi sgt, %add3A_154, %gt3A_298 : i32
      %convert_element_type3A_300 = arith.extui %gt3A_299 : i1 to i32
      %cond3A_301 = arith.constant 0 : i32
      %cond3A_302 = arith.cmpi ne, %convert_element_type3A_300, %cond3A_301 : i32
      scf.if %cond3A_302 {
        %sub3A = arith.constant 8 : i32
        %sub3A_655 = arith.subi %add3A_154, %sub3A : i32
        %add3A_656 = arith.constant 7 : i32
        %add3A_657 = arith.addi %sub3A_655, %add3A_656 : i32
        %mul3A_658 = arith.constant 128 : i32
        %mul3A_659 = arith.muli %add3A_657, %mul3A_658 : i32
        %add3A_660 = arith.addi %mul3A_2, %mul3A_659 : i32
        %dma_wait3A_661 = arith.constant 7 : i32
        %dma_wait3A_662 = arith.constant 7 : i32
        %dma_wait3A_663 = arith.constant 0 : i32
        %dma_wait3A_664 = arith.constant 0 : i32
        %dma_wait3A_665 = tpu.memref_slice %arg6[%dma_wait3A_661, %dma_wait3A_663, %dma_wait3A_664] : memref<8x128x64xf32, #tpu.memory_space<vmem>> -> memref<1x128x64xf32, #tpu.memory_space<vmem>>
        %dma_wait3A_666 = tpu.memref_squeeze %dma_wait3A_665 : memref<1x128x64xf32, #tpu.memory_space<vmem>> -> memref<128x64xf32, #tpu.memory_space<vmem>>
        %dma_wait3A_667 = arith.constant 0 : i32
        %dma_wait3A_668 = tpu.memref_slice %arg4[%add3A_660, %dma_wait3A_667] : memref<819200x64xf32, #tpu.memory_space<hbm>> -> memref<128x64xf32, #tpu.memory_space<hbm>>
        %dma_wait3A_669 = tpu.memref_slice %arg8[%dma_wait3A_662] : memref<8x!tpu.dma_semaphore, #tpu.memory_space<semaphore_mem>> -> memref<1x!tpu.dma_semaphore, #tpu.memory_space<semaphore_mem>>
        %dma_wait3A_670 = tpu.memref_squeeze %dma_wait3A_669 : memref<1x!tpu.dma_semaphore, #tpu.memory_space<semaphore_mem>> -> memref<!tpu.dma_semaphore, #tpu.memory_space<semaphore_mem>>
        %dma_wait3A_671 = arith.constant 0 : i32
        %dma_wait3A_672 = tpu.memref_slice %arg4[%add3A_660, %dma_wait3A_671] : memref<819200x64xf32, #tpu.memory_space<hbm>> -> memref<128x64xf32, #tpu.memory_space<hbm>>
        %dma_wait3A_673 = arith.constant 0 : i32
        %dma_wait3A_674 = arith.constant 0 : i32
        %dma_wait3A_675 = tpu.memref_slice %arg6[%dma_wait3A_661, %dma_wait3A_673, %dma_wait3A_674] : memref<8x128x64xf32, #tpu.memory_space<vmem>> -> memref<1x128x64xf32, #tpu.memory_space<vmem>>
        %dma_wait3A_676 = tpu.memref_squeeze %dma_wait3A_675 : memref<1x128x64xf32, #tpu.memory_space<vmem>> -> memref<128x64xf32, #tpu.memory_space<vmem>>
        tpu.wait_dma2 semaphore(%dma_wait3A_670 : memref<!tpu.dma_semaphore, #tpu.memory_space<semaphore_mem>>) src(%dma_wait3A_676 : memref<128x64xf32, #tpu.memory_space<vmem>>) dst(%dma_wait3A_672 : memref<128x64xf32, #tpu.memory_space<hbm>>)
      } else {
      }
      %add3A_303 = arith.constant 7 : i32
      %add3A_304 = arith.addi %add3A_154, %add3A_303 : i32
      %mul3A_305 = arith.constant 128 : i32
      %mul3A_306 = arith.muli %add3A_304, %mul3A_305 : i32
      %dma_start3A_307 = arith.constant 7 : i32
      %dma_start3A_308 = arith.constant 7 : i32
      %dma_start3A_309 = arith.constant 0 : i32
      %dma_start3A_310 = arith.constant 0 : i32
      %dma_start3A_311 = tpu.memref_slice %arg6[%dma_start3A_307, %dma_start3A_309, %dma_start3A_310] : memref<8x128x64xf32, #tpu.memory_space<vmem>> -> memref<1x128x64xf32, #tpu.memory_space<vmem>>
      %dma_start3A_312 = tpu.memref_squeeze %dma_start3A_311 : memref<1x128x64xf32, #tpu.memory_space<vmem>> -> memref<128x64xf32, #tpu.memory_space<vmem>>
      %dma_start3A_313 = tpu.memref_slice %arg5[%mul3A_306] : memref<25600xi32, #tpu.memory_space<vmem>> -> memref<128xi32, #tpu.memory_space<vmem>>
      %dma_start3A_314 = arith.constant 0 : i32
      %dma_start3A_315 = arith.constant 0 : i32
      %dma_start3A_316 = tpu.memref_slice %arg2[%dma_start3A_314, %dma_start3A_315] : memref<1000000x64xf32, #tpu.memory_space<hbm>> -> memref<1000000x64xf32, #tpu.memory_space<hbm>>
      %dma_start3A_317 = tpu.memref_slice %arg7[%dma_start3A_308] : memref<8x!tpu.dma_semaphore, #tpu.memory_space<semaphore_mem>> -> memref<1x!tpu.dma_semaphore, #tpu.memory_space<semaphore_mem>>
      %dma_start3A_318 = tpu.memref_squeeze %dma_start3A_317 : memref<1x!tpu.dma_semaphore, #tpu.memory_space<semaphore_mem>> -> memref<!tpu.dma_semaphore, #tpu.memory_space<semaphore_mem>>
      tpu.enqueue_indirect_dma source(%dma_start3A_316 : memref<1000000x64xf32, #tpu.memory_space<hbm>>) target(%dma_start3A_312 : memref<128x64xf32, #tpu.memory_space<vmem>>) offsets(%dma_start3A_313 : memref<128xi32, #tpu.memory_space<vmem>>) semaphore(%dma_start3A_318 : memref<!tpu.dma_semaphore, #tpu.memory_space<semaphore_mem>>)
      %add3A_319 = arith.constant 0 : i32
      %add3A_320 = arith.addi %add3A_154, %add3A_319 : i32
      %mul3A_321 = arith.constant 128 : i32
      %mul3A_322 = arith.muli %add3A_320, %mul3A_321 : i32
      %dma_wait3A_323 = arith.constant 0 : i32
      %dma_wait3A_324 = arith.constant 0 : i32
      %dma_wait3A_325 = arith.constant 0 : i32
      %dma_wait3A_326 = arith.constant 0 : i32
      %dma_wait3A_327 = tpu.memref_slice %arg6[%dma_wait3A_323, %dma_wait3A_325, %dma_wait3A_326] : memref<8x128x64xf32, #tpu.memory_space<vmem>> -> memref<1x128x64xf32, #tpu.memory_space<vmem>>
      %dma_wait3A_328 = tpu.memref_squeeze %dma_wait3A_327 : memref<1x128x64xf32, #tpu.memory_space<vmem>> -> memref<128x64xf32, #tpu.memory_space<vmem>>
      %dma_wait3A_329 = tpu.memref_slice %arg5[%mul3A_322] : memref<25600xi32, #tpu.memory_space<vmem>> -> memref<128xi32, #tpu.memory_space<vmem>>
      %dma_wait3A_330 = arith.constant 0 : i32
      %dma_wait3A_331 = arith.constant 0 : i32
      %dma_wait3A_332 = tpu.memref_slice %arg2[%dma_wait3A_330, %dma_wait3A_331] : memref<1000000x64xf32, #tpu.memory_space<hbm>> -> memref<1000000x64xf32, #tpu.memory_space<hbm>>
      %dma_wait3A_333 = tpu.memref_slice %arg7[%dma_wait3A_324] : memref<8x!tpu.dma_semaphore, #tpu.memory_space<semaphore_mem>> -> memref<1x!tpu.dma_semaphore, #tpu.memory_space<semaphore_mem>>
      %dma_wait3A_334 = tpu.memref_squeeze %dma_wait3A_333 : memref<1x!tpu.dma_semaphore, #tpu.memory_space<semaphore_mem>> -> memref<!tpu.dma_semaphore, #tpu.memory_space<semaphore_mem>>
      tpu.wait_indirect_dma semaphore(%dma_wait3A_334 : memref<!tpu.dma_semaphore, #tpu.memory_space<semaphore_mem>>) src(%dma_wait3A_332 : memref<1000000x64xf32, #tpu.memory_space<hbm>>) dst(%dma_wait3A_328 : memref<128x64xf32, #tpu.memory_space<vmem>>)
      %scan3A_335 = arith.constant 0 : i32
      %scan3A_336 = arith.constant 128 : i32
      %scan3A_337 = arith.addi %scan3A_335, %scan3A_336 : i32
      %scan3A_338 = arith.constant 1 : i32
      scf.for %scan3A_655 = %scan3A_335 to %scan3A_337 step %scan3A_338  : i32 {
        %mul3A_656 = arith.constant 1 : i32
        %mul3A_657 = arith.muli %scan3A_655, %mul3A_656 : i32
        %add3A_658 = arith.constant 0 : i32
        %add3A_659 = arith.addi %add3A_658, %mul3A_657 : i32
        %get3A = arith.constant 0 : i32
        %get3A_660 = arith.constant 0 : i32
        %get3A_661 = arith.constant 0 : i32
        %get3A_662 = tpu.memref_slice %arg6[%get3A, %get3A_660, %get3A_661] : memref<8x128x64xf32, #tpu.memory_space<vmem>> -> memref<1x128x64xf32, #tpu.memory_space<vmem>>
        %get3A_663 = tpu.memref_squeeze %get3A_662 : memref<1x128x64xf32, #tpu.memory_space<vmem>> -> memref<128x64xf32, #tpu.memory_space<vmem>>
        %get3A_664 = arith.index_cast %add3A_659 : i32 to index
        %get3A_665 = arith.constant 0 : index
        %get3A_666 = tpu.vector_load %get3A_663[%get3A_664, %get3A_665] {strides = array<i32>} : memref<128x64xf32, #tpu.memory_space<vmem>>, vector<1x16xf32>,
        %get3A_667 = vector.shape_cast %get3A_666 : vector<1x16xf32> to vector<1x16xf32>
        %mul3A_668 = arith.constant 8.000000e+00 : f32
        %mul3A_669 = vector.broadcast %mul3A_668 : f32 to vector<1x16xf32>
        %mul3A_670 = arith.mulf %get3A_667, %mul3A_669 : vector<1x16xf32>
        %swap3A = arith.constant 0 : i32
        %swap3A_671 = arith.constant 0 : i32
        %swap3A_672 = arith.constant 0 : i32
        %swap3A_673 = tpu.memref_slice %arg6[%swap3A, %swap3A_671, %swap3A_672] : memref<8x128x64xf32, #tpu.memory_space<vmem>> -> memref<1x128x64xf32, #tpu.memory_space<vmem>>
        %swap3A_674 = tpu.memref_squeeze %swap3A_673 : memref<1x128x64xf32, #tpu.memory_space<vmem>> -> memref<128x64xf32, #tpu.memory_space<vmem>>
        %swap3A_675 = arith.index_cast %add3A_659 : i32 to index
        %swap3A_676 = arith.constant 0 : index
        %swap3A_677 = tpu.vector_load %swap3A_674[%swap3A_675, %swap3A_676] {strides = array<i32>} : memref<128x64xf32, #tpu.memory_space<vmem>>, vector<1x16xf32>,
        %swap3A_678 = vector.shape_cast %swap3A_677 : vector<1x16xf32> to vector<1x16xf32>
        %swap3A_679 = vector.shape_cast %mul3A_670 : vector<1x16xf32> to vector<1x16xf32>
        tpu.vector_store %swap3A_674[%swap3A_675, %swap3A_676], %swap3A_679 {strides = array<i32>} : memref<128x64xf32, #tpu.memory_space<vmem>>, vector<1x16xf32>,
        %get3A_680 = arith.constant 0 : i32
        %get3A_681 = arith.constant 0 : i32
        %get3A_682 = arith.constant 0 : i32
        %get3A_683 = tpu.memref_slice %arg6[%get3A_680, %get3A_681, %get3A_682] : memref<8x128x64xf32, #tpu.memory_space<vmem>> -> memref<1x128x64xf32, #tpu.memory_space<vmem>>
        %get3A_684 = tpu.memref_squeeze %get3A_683 : memref<1x128x64xf32, #tpu.memory_space<vmem>> -> memref<128x64xf32, #tpu.memory_space<vmem>>
        %get3A_685 = arith.index_cast %add3A_659 : i32 to index
        %get3A_686 = arith.constant 16 : index
        %get3A_687 = tpu.vector_load %get3A_684[%get3A_685, %get3A_686] {strides = array<i32>} : memref<128x64xf32, #tpu.memory_space<vmem>>, vector<1x16xf32>,
        %get3A_688 = vector.shape_cast %get3A_687 : vector<1x16xf32> to vector<1x16xf32>
        %mul3A_689 = arith.constant 8.000000e+00 : f32
        %mul3A_690 = vector.broadcast %mul3A_689 : f32 to vector<1x16xf32>
        %mul3A_691 = arith.mulf %get3A_688, %mul3A_690 : vector<1x16xf32>
        %swap3A_692 = arith.constant 0 : i32
        %swap3A_693 = arith.constant 0 : i32
        %swap3A_694 = arith.constant 0 : i32
        %swap3A_695 = tpu.memref_slice %arg6[%swap3A_692, %swap3A_693, %swap3A_694] : memref<8x128x64xf32, #tpu.memory_space<vmem>> -> memref<1x128x64xf32, #tpu.memory_space<vmem>>
        %swap3A_696 = tpu.memref_squeeze %swap3A_695 : memref<1x128x64xf32, #tpu.memory_space<vmem>> -> memref<128x64xf32, #tpu.memory_space<vmem>>
        %swap3A_697 = arith.index_cast %add3A_659 : i32 to index
        %swap3A_698 = arith.constant 16 : index
        %swap3A_699 = tpu.vector_load %swap3A_696[%swap3A_697, %swap3A_698] {strides = array<i32>} : memref<128x64xf32, #tpu.memory_space<vmem>>, vector<1x16xf32>,
        %swap3A_700 = vector.shape_cast %swap3A_699 : vector<1x16xf32> to vector<1x16xf32>
        %swap3A_701 = vector.shape_cast %mul3A_691 : vector<1x16xf32> to vector<1x16xf32>
        tpu.vector_store %swap3A_696[%swap3A_697, %swap3A_698], %swap3A_701 {strides = array<i32>} : memref<128x64xf32, #tpu.memory_space<vmem>>, vector<1x16xf32>,
        %get3A_702 = arith.constant 0 : i32
        %get3A_703 = arith.constant 0 : i32
        %get3A_704 = arith.constant 0 : i32
        %get3A_705 = tpu.memref_slice %arg6[%get3A_702, %get3A_703, %get3A_704] : memref<8x128x64xf32, #tpu.memory_space<vmem>> -> memref<1x128x64xf32, #tpu.memory_space<vmem>>
        %get3A_706 = tpu.memref_squeeze %get3A_705 : memref<1x128x64xf32, #tpu.memory_space<vmem>> -> memref<128x64xf32, #tpu.memory_space<vmem>>
        %get3A_707 = arith.index_cast %add3A_659 : i32 to index
        %get3A_708 = arith.constant 32 : index
        %get3A_709 = tpu.vector_load %get3A_706[%get3A_707, %get3A_708] {strides = array<i32>} : memref<128x64xf32, #tpu.memory_space<vmem>>, vector<1x16xf32>,
        %get3A_710 = vector.shape_cast %get3A_709 : vector<1x16xf32> to vector<1x16xf32>
        %mul3A_711 = arith.constant 8.000000e+00 : f32
        %mul3A_712 = vector.broadcast %mul3A_711 : f32 to vector<1x16xf32>
        %mul3A_713 = arith.mulf %get3A_710, %mul3A_712 : vector<1x16xf32>
        %swap3A_714 = arith.constant 0 : i32
        %swap3A_715 = arith.constant 0 : i32
        %swap3A_716 = arith.constant 0 : i32
        %swap3A_717 = tpu.memref_slice %arg6[%swap3A_714, %swap3A_715, %swap3A_716] : memref<8x128x64xf32, #tpu.memory_space<vmem>> -> memref<1x128x64xf32, #tpu.memory_space<vmem>>
        %swap3A_718 = tpu.memref_squeeze %swap3A_717 : memref<1x128x64xf32, #tpu.memory_space<vmem>> -> memref<128x64xf32, #tpu.memory_space<vmem>>
        %swap3A_719 = arith.index_cast %add3A_659 : i32 to index
        %swap3A_720 = arith.constant 32 : index
        %swap3A_721 = tpu.vector_load %swap3A_718[%swap3A_719, %swap3A_720] {strides = array<i32>} : memref<128x64xf32, #tpu.memory_space<vmem>>, vector<1x16xf32>,
        %swap3A_722 = vector.shape_cast %swap3A_721 : vector<1x16xf32> to vector<1x16xf32>
        %swap3A_723 = vector.shape_cast %mul3A_713 : vector<1x16xf32> to vector<1x16xf32>
        tpu.vector_store %swap3A_718[%swap3A_719, %swap3A_720], %swap3A_723 {strides = array<i32>} : memref<128x64xf32, #tpu.memory_space<vmem>>, vector<1x16xf32>,
        %get3A_724 = arith.constant 0 : i32
        %get3A_725 = arith.constant 0 : i32
        %get3A_726 = arith.constant 0 : i32
        %get3A_727 = tpu.memref_slice %arg6[%get3A_724, %get3A_725, %get3A_726] : memref<8x128x64xf32, #tpu.memory_space<vmem>> -> memref<1x128x64xf32, #tpu.memory_space<vmem>>
        %get3A_728 = tpu.memref_squeeze %get3A_727 : memref<1x128x64xf32, #tpu.memory_space<vmem>> -> memref<128x64xf32, #tpu.memory_space<vmem>>
        %get3A_729 = arith.index_cast %add3A_659 : i32 to index
        %get3A_730 = arith.constant 48 : index
        %get3A_731 = tpu.vector_load %get3A_728[%get3A_729, %get3A_730] {strides = array<i32>} : memref<128x64xf32, #tpu.memory_space<vmem>>, vector<1x16xf32>,
        %get3A_732 = vector.shape_cast %get3A_731 : vector<1x16xf32> to vector<1x16xf32>
        %mul3A_733 = arith.constant 8.000000e+00 : f32
        %mul3A_734 = vector.broadcast %mul3A_733 : f32 to vector<1x16xf32>
        %mul3A_735 = arith.mulf %get3A_732, %mul3A_734 : vector<1x16xf32>
        %swap3A_736 = arith.constant 0 : i32
        %swap3A_737 = arith.constant 0 : i32
        %swap3A_738 = arith.constant 0 : i32
        %swap3A_739 = tpu.memref_slice %arg6[%swap3A_736, %swap3A_737, %swap3A_738] : memref<8x128x64xf32, #tpu.memory_space<vmem>> -> memref<1x128x64xf32, #tpu.memory_space<vmem>>
        %swap3A_740 = tpu.memref_squeeze %swap3A_739 : memref<1x128x64xf32, #tpu.memory_space<vmem>> -> memref<128x64xf32, #tpu.memory_space<vmem>>
        %swap3A_741 = arith.index_cast %add3A_659 : i32 to index
        %swap3A_742 = arith.constant 48 : index
        %swap3A_743 = tpu.vector_load %swap3A_740[%swap3A_741, %swap3A_742] {strides = array<i32>} : memref<128x64xf32, #tpu.memory_space<vmem>>, vector<1x16xf32>,
        %swap3A_744 = vector.shape_cast %swap3A_743 : vector<1x16xf32> to vector<1x16xf32>
        %swap3A_745 = vector.shape_cast %mul3A_735 : vector<1x16xf32> to vector<1x16xf32>
        tpu.vector_store %swap3A_740[%swap3A_741, %swap3A_742], %swap3A_745 {strides = array<i32>} : memref<128x64xf32, #tpu.memory_space<vmem>>, vector<1x16xf32>,
      }
      %scan3A_339 = arith.constant 128 : i32
      %add3A_340 = arith.constant 0 : i32
      %add3A_341 = arith.addi %add3A_154, %add3A_340 : i32
      %mul3A_342 = arith.constant 128 : i32
      %mul3A_343 = arith.muli %add3A_341, %mul3A_342 : i32
      %add3A_344 = arith.addi %mul3A_2, %mul3A_343 : i32
      %dma_start3A_345 = arith.constant 0 : i32
      %dma_start3A_346 = arith.constant 0 : i32
      %dma_start3A_347 = arith.constant 0 : i32
      %dma_start3A_348 = arith.constant 0 : i32
      %dma_start3A_349 = tpu.memref_slice %arg6[%dma_start3A_345, %dma_start3A_347, %dma_start3A_348] : memref<8x128x64xf32, #tpu.memory_space<vmem>> -> memref<1x128x64xf32, #tpu.memory_space<vmem>>
      %dma_start3A_350 = tpu.memref_squeeze %dma_start3A_349 : memref<1x128x64xf32, #tpu.memory_space<vmem>> -> memref<128x64xf32, #tpu.memory_space<vmem>>
      %dma_start3A_351 = arith.constant 0 : i32
      %dma_start3A_352 = tpu.memref_slice %arg4[%add3A_344, %dma_start3A_351] : memref<819200x64xf32, #tpu.memory_space<hbm>> -> memref<128x64xf32, #tpu.memory_space<hbm>>
      %dma_start3A_353 = tpu.memref_slice %arg8[%dma_start3A_346] : memref<8x!tpu.dma_semaphore, #tpu.memory_space<semaphore_mem>> -> memref<1x!tpu.dma_semaphore, #tpu.memory_space<semaphore_mem>>
      %dma_start3A_354 = tpu.memref_squeeze %dma_start3A_353 : memref<1x!tpu.dma_semaphore, #tpu.memory_space<semaphore_mem>> -> memref<!tpu.dma_semaphore, #tpu.memory_space<semaphore_mem>>
      %dma_start3A_355 = arith.constant 0 : i32
      %dma_start3A_356 = tpu.memref_slice %arg4[%add3A_344, %dma_start3A_355] : memref<819200x64xf32, #tpu.memory_space<hbm>> -> memref<128x64xf32, #tpu.memory_space<hbm>>
      %dma_start3A_357 = arith.constant 0 : i32
      %dma_start3A_358 = arith.constant 0 : i32
      %dma_start3A_359 = tpu.memref_slice %arg6[%dma_start3A_345, %dma_start3A_357, %dma_start3A_358] : memref<8x128x64xf32, #tpu.memory_space<vmem>> -> memref<1x128x64xf32, #tpu.memory_space<vmem>>
      %dma_start3A_360 = tpu.memref_squeeze %dma_start3A_359 : memref<1x128x64xf32, #tpu.memory_space<vmem>> -> memref<128x64xf32, #tpu.memory_space<vmem>>
      tpu.enqueue_dma source(%dma_start3A_360 : memref<128x64xf32, #tpu.memory_space<vmem>>) target(%dma_start3A_356 : memref<128x64xf32, #tpu.memory_space<hbm>>) target_semaphore(%dma_start3A_354 : memref<!tpu.dma_semaphore, #tpu.memory_space<semaphore_mem>>)
      %add3A_361 = arith.constant 1 : i32
      %add3A_362 = arith.addi %add3A_154, %add3A_361 : i32
      %mul3A_363 = arith.constant 128 : i32
      %mul3A_364 = arith.muli %add3A_362, %mul3A_363 : i32
      %dma_wait3A_365 = arith.constant 1 : i32
      %dma_wait3A_366 = arith.constant 1 : i32
      %dma_wait3A_367 = arith.constant 0 : i32
      %dma_wait3A_368 = arith.constant 0 : i32
      %dma_wait3A_369 = tpu.memref_slice %arg6[%dma_wait3A_365, %dma_wait3A_367, %dma_wait3A_368] : memref<8x128x64xf32, #tpu.memory_space<vmem>> -> memref<1x128x64xf32, #tpu.memory_space<vmem>>
      %dma_wait3A_370 = tpu.memref_squeeze %dma_wait3A_369 : memref<1x128x64xf32, #tpu.memory_space<vmem>> -> memref<128x64xf32, #tpu.memory_space<vmem>>
      %dma_wait3A_371 = tpu.memref_slice %arg5[%mul3A_364] : memref<25600xi32, #tpu.memory_space<vmem>> -> memref<128xi32, #tpu.memory_space<vmem>>
      %dma_wait3A_372 = arith.constant 0 : i32
      %dma_wait3A_373 = arith.constant 0 : i32
      %dma_wait3A_374 = tpu.memref_slice %arg2[%dma_wait3A_372, %dma_wait3A_373] : memref<1000000x64xf32, #tpu.memory_space<hbm>> -> memref<1000000x64xf32, #tpu.memory_space<hbm>>
      %dma_wait3A_375 = tpu.memref_slice %arg7[%dma_wait3A_366] : memref<8x!tpu.dma_semaphore, #tpu.memory_space<semaphore_mem>> -> memref<1x!tpu.dma_semaphore, #tpu.memory_space<semaphore_mem>>
      %dma_wait3A_376 = tpu.memref_squeeze %dma_wait3A_375 : memref<1x!tpu.dma_semaphore, #tpu.memory_space<semaphore_mem>> -> memref<!tpu.dma_semaphore, #tpu.memory_space<semaphore_mem>>
      tpu.wait_indirect_dma semaphore(%dma_wait3A_376 : memref<!tpu.dma_semaphore, #tpu.memory_space<semaphore_mem>>) src(%dma_wait3A_374 : memref<1000000x64xf32, #tpu.memory_space<hbm>>) dst(%dma_wait3A_370 : memref<128x64xf32, #tpu.memory_space<vmem>>)
      %scan3A_377 = arith.constant 0 : i32
      %scan3A_378 = arith.constant 128 : i32
      %scan3A_379 = arith.addi %scan3A_377, %scan3A_378 : i32
      %scan3A_380 = arith.constant 1 : i32
      scf.for %scan3A_655 = %scan3A_377 to %scan3A_379 step %scan3A_380  : i32 {
        %mul3A_656 = arith.constant 1 : i32
        %mul3A_657 = arith.muli %scan3A_655, %mul3A_656 : i32
        %add3A_658 = arith.constant 0 : i32
        %add3A_659 = arith.addi %add3A_658, %mul3A_657 : i32
        %get3A = arith.constant 1 : i32
        %get3A_660 = arith.constant 0 : i32
        %get3A_661 = arith.constant 0 : i32
        %get3A_662 = tpu.memref_slice %arg6[%get3A, %get3A_660, %get3A_661] : memref<8x128x64xf32, #tpu.memory_space<vmem>> -> memref<1x128x64xf32, #tpu.memory_space<vmem>>
        %get3A_663 = tpu.memref_squeeze %get3A_662 : memref<1x128x64xf32, #tpu.memory_space<vmem>> -> memref<128x64xf32, #tpu.memory_space<vmem>>
        %get3A_664 = arith.index_cast %add3A_659 : i32 to index
        %get3A_665 = arith.constant 0 : index
        %get3A_666 = tpu.vector_load %get3A_663[%get3A_664, %get3A_665] {strides = array<i32>} : memref<128x64xf32, #tpu.memory_space<vmem>>, vector<1x16xf32>,
        %get3A_667 = vector.shape_cast %get3A_666 : vector<1x16xf32> to vector<1x16xf32>
        %mul3A_668 = arith.constant 8.000000e+00 : f32
        %mul3A_669 = vector.broadcast %mul3A_668 : f32 to vector<1x16xf32>
        %mul3A_670 = arith.mulf %get3A_667, %mul3A_669 : vector<1x16xf32>
        %swap3A = arith.constant 1 : i32
        %swap3A_671 = arith.constant 0 : i32
        %swap3A_672 = arith.constant 0 : i32
        %swap3A_673 = tpu.memref_slice %arg6[%swap3A, %swap3A_671, %swap3A_672] : memref<8x128x64xf32, #tpu.memory_space<vmem>> -> memref<1x128x64xf32, #tpu.memory_space<vmem>>
        %swap3A_674 = tpu.memref_squeeze %swap3A_673 : memref<1x128x64xf32, #tpu.memory_space<vmem>> -> memref<128x64xf32, #tpu.memory_space<vmem>>
        %swap3A_675 = arith.index_cast %add3A_659 : i32 to index
        %swap3A_676 = arith.constant 0 : index
        %swap3A_677 = tpu.vector_load %swap3A_674[%swap3A_675, %swap3A_676] {strides = array<i32>} : memref<128x64xf32, #tpu.memory_space<vmem>>, vector<1x16xf32>,
        %swap3A_678 = vector.shape_cast %swap3A_677 : vector<1x16xf32> to vector<1x16xf32>
        %swap3A_679 = vector.shape_cast %mul3A_670 : vector<1x16xf32> to vector<1x16xf32>
        tpu.vector_store %swap3A_674[%swap3A_675, %swap3A_676], %swap3A_679 {strides = array<i32>} : memref<128x64xf32, #tpu.memory_space<vmem>>, vector<1x16xf32>,
        %get3A_680 = arith.constant 1 : i32
        %get3A_681 = arith.constant 0 : i32
        %get3A_682 = arith.constant 0 : i32
        %get3A_683 = tpu.memref_slice %arg6[%get3A_680, %get3A_681, %get3A_682] : memref<8x128x64xf32, #tpu.memory_space<vmem>> -> memref<1x128x64xf32, #tpu.memory_space<vmem>>
        %get3A_684 = tpu.memref_squeeze %get3A_683 : memref<1x128x64xf32, #tpu.memory_space<vmem>> -> memref<128x64xf32, #tpu.memory_space<vmem>>
        %get3A_685 = arith.index_cast %add3A_659 : i32 to index
        %get3A_686 = arith.constant 16 : index
        %get3A_687 = tpu.vector_load %get3A_684[%get3A_685, %get3A_686] {strides = array<i32>} : memref<128x64xf32, #tpu.memory_space<vmem>>, vector<1x16xf32>,
        %get3A_688 = vector.shape_cast %get3A_687 : vector<1x16xf32> to vector<1x16xf32>
        %mul3A_689 = arith.constant 8.000000e+00 : f32
        %mul3A_690 = vector.broadcast %mul3A_689 : f32 to vector<1x16xf32>
        %mul3A_691 = arith.mulf %get3A_688, %mul3A_690 : vector<1x16xf32>
        %swap3A_692 = arith.constant 1 : i32
        %swap3A_693 = arith.constant 0 : i32
        %swap3A_694 = arith.constant 0 : i32
        %swap3A_695 = tpu.memref_slice %arg6[%swap3A_692, %swap3A_693, %swap3A_694] : memref<8x128x64xf32, #tpu.memory_space<vmem>> -> memref<1x128x64xf32, #tpu.memory_space<vmem>>
        %swap3A_696 = tpu.memref_squeeze %swap3A_695 : memref<1x128x64xf32, #tpu.memory_space<vmem>> -> memref<128x64xf32, #tpu.memory_space<vmem>>
        %swap3A_697 = arith.index_cast %add3A_659 : i32 to index
        %swap3A_698 = arith.constant 16 : index
        %swap3A_699 = tpu.vector_load %swap3A_696[%swap3A_697, %swap3A_698] {strides = array<i32>} : memref<128x64xf32, #tpu.memory_space<vmem>>, vector<1x16xf32>,
        %swap3A_700 = vector.shape_cast %swap3A_699 : vector<1x16xf32> to vector<1x16xf32>
        %swap3A_701 = vector.shape_cast %mul3A_691 : vector<1x16xf32> to vector<1x16xf32>
        tpu.vector_store %swap3A_696[%swap3A_697, %swap3A_698], %swap3A_701 {strides = array<i32>} : memref<128x64xf32, #tpu.memory_space<vmem>>, vector<1x16xf32>,
        %get3A_702 = arith.constant 1 : i32
        %get3A_703 = arith.constant 0 : i32
        %get3A_704 = arith.constant 0 : i32
        %get3A_705 = tpu.memref_slice %arg6[%get3A_702, %get3A_703, %get3A_704] : memref<8x128x64xf32, #tpu.memory_space<vmem>> -> memref<1x128x64xf32, #tpu.memory_space<vmem>>
        %get3A_706 = tpu.memref_squeeze %get3A_705 : memref<1x128x64xf32, #tpu.memory_space<vmem>> -> memref<128x64xf32, #tpu.memory_space<vmem>>
        %get3A_707 = arith.index_cast %add3A_659 : i32 to index
        %get3A_708 = arith.constant 32 : index
        %get3A_709 = tpu.vector_load %get3A_706[%get3A_707, %get3A_708] {strides = array<i32>} : memref<128x64xf32, #tpu.memory_space<vmem>>, vector<1x16xf32>,
        %get3A_710 = vector.shape_cast %get3A_709 : vector<1x16xf32> to vector<1x16xf32>
        %mul3A_711 = arith.constant 8.000000e+00 : f32
        %mul3A_712 = vector.broadcast %mul3A_711 : f32 to vector<1x16xf32>
        %mul3A_713 = arith.mulf %get3A_710, %mul3A_712 : vector<1x16xf32>
        %swap3A_714 = arith.constant 1 : i32
        %swap3A_715 = arith.constant 0 : i32
        %swap3A_716 = arith.constant 0 : i32
        %swap3A_717 = tpu.memref_slice %arg6[%swap3A_714, %swap3A_715, %swap3A_716] : memref<8x128x64xf32, #tpu.memory_space<vmem>> -> memref<1x128x64xf32, #tpu.memory_space<vmem>>
        %swap3A_718 = tpu.memref_squeeze %swap3A_717 : memref<1x128x64xf32, #tpu.memory_space<vmem>> -> memref<128x64xf32, #tpu.memory_space<vmem>>
        %swap3A_719 = arith.index_cast %add3A_659 : i32 to index
        %swap3A_720 = arith.constant 32 : index
        %swap3A_721 = tpu.vector_load %swap3A_718[%swap3A_719, %swap3A_720] {strides = array<i32>} : memref<128x64xf32, #tpu.memory_space<vmem>>, vector<1x16xf32>,
        %swap3A_722 = vector.shape_cast %swap3A_721 : vector<1x16xf32> to vector<1x16xf32>
        %swap3A_723 = vector.shape_cast %mul3A_713 : vector<1x16xf32> to vector<1x16xf32>
        tpu.vector_store %swap3A_718[%swap3A_719, %swap3A_720], %swap3A_723 {strides = array<i32>} : memref<128x64xf32, #tpu.memory_space<vmem>>, vector<1x16xf32>,
        %get3A_724 = arith.constant 1 : i32
        %get3A_725 = arith.constant 0 : i32
        %get3A_726 = arith.constant 0 : i32
        %get3A_727 = tpu.memref_slice %arg6[%get3A_724, %get3A_725, %get3A_726] : memref<8x128x64xf32, #tpu.memory_space<vmem>> -> memref<1x128x64xf32, #tpu.memory_space<vmem>>
        %get3A_728 = tpu.memref_squeeze %get3A_727 : memref<1x128x64xf32, #tpu.memory_space<vmem>> -> memref<128x64xf32, #tpu.memory_space<vmem>>
        %get3A_729 = arith.index_cast %add3A_659 : i32 to index
        %get3A_730 = arith.constant 48 : index
        %get3A_731 = tpu.vector_load %get3A_728[%get3A_729, %get3A_730] {strides = array<i32>} : memref<128x64xf32, #tpu.memory_space<vmem>>, vector<1x16xf32>,
        %get3A_732 = vector.shape_cast %get3A_731 : vector<1x16xf32> to vector<1x16xf32>
        %mul3A_733 = arith.constant 8.000000e+00 : f32
        %mul3A_734 = vector.broadcast %mul3A_733 : f32 to vector<1x16xf32>
        %mul3A_735 = arith.mulf %get3A_732, %mul3A_734 : vector<1x16xf32>
        %swap3A_736 = arith.constant 1 : i32
        %swap3A_737 = arith.constant 0 : i32
        %swap3A_738 = arith.constant 0 : i32
        %swap3A_739 = tpu.memref_slice %arg6[%swap3A_736, %swap3A_737, %swap3A_738] : memref<8x128x64xf32, #tpu.memory_space<vmem>> -> memref<1x128x64xf32, #tpu.memory_space<vmem>>
        %swap3A_740 = tpu.memref_squeeze %swap3A_739 : memref<1x128x64xf32, #tpu.memory_space<vmem>> -> memref<128x64xf32, #tpu.memory_space<vmem>>
        %swap3A_741 = arith.index_cast %add3A_659 : i32 to index
        %swap3A_742 = arith.constant 48 : index
        %swap3A_743 = tpu.vector_load %swap3A_740[%swap3A_741, %swap3A_742] {strides = array<i32>} : memref<128x64xf32, #tpu.memory_space<vmem>>, vector<1x16xf32>,
        %swap3A_744 = vector.shape_cast %swap3A_743 : vector<1x16xf32> to vector<1x16xf32>
        %swap3A_745 = vector.shape_cast %mul3A_735 : vector<1x16xf32> to vector<1x16xf32>
        tpu.vector_store %swap3A_740[%swap3A_741, %swap3A_742], %swap3A_745 {strides = array<i32>} : memref<128x64xf32, #tpu.memory_space<vmem>>, vector<1x16xf32>,
      }
      %scan3A_381 = arith.constant 128 : i32
      %add3A_382 = arith.constant 1 : i32
      %add3A_383 = arith.addi %add3A_154, %add3A_382 : i32
      %mul3A_384 = arith.constant 128 : i32
      %mul3A_385 = arith.muli %add3A_383, %mul3A_384 : i32
      %add3A_386 = arith.addi %mul3A_2, %mul3A_385 : i32
      %dma_start3A_387 = arith.constant 1 : i32
      %dma_start3A_388 = arith.constant 1 : i32
      %dma_start3A_389 = arith.constant 0 : i32
      %dma_start3A_390 = arith.constant 0 : i32
      %dma_start3A_391 = tpu.memref_slice %arg6[%dma_start3A_387, %dma_start3A_389, %dma_start3A_390] : memref<8x128x64xf32, #tpu.memory_space<vmem>> -> memref<1x128x64xf32, #tpu.memory_space<vmem>>
      %dma_start3A_392 = tpu.memref_squeeze %dma_start3A_391 : memref<1x128x64xf32, #tpu.memory_space<vmem>> -> memref<128x64xf32, #tpu.memory_space<vmem>>
      %dma_start3A_393 = arith.constant 0 : i32
      %dma_start3A_394 = tpu.memref_slice %arg4[%add3A_386, %dma_start3A_393] : memref<819200x64xf32, #tpu.memory_space<hbm>> -> memref<128x64xf32, #tpu.memory_space<hbm>>
      %dma_start3A_395 = tpu.memref_slice %arg8[%dma_start3A_388] : memref<8x!tpu.dma_semaphore, #tpu.memory_space<semaphore_mem>> -> memref<1x!tpu.dma_semaphore, #tpu.memory_space<semaphore_mem>>
      %dma_start3A_396 = tpu.memref_squeeze %dma_start3A_395 : memref<1x!tpu.dma_semaphore, #tpu.memory_space<semaphore_mem>> -> memref<!tpu.dma_semaphore, #tpu.memory_space<semaphore_mem>>
      %dma_start3A_397 = arith.constant 0 : i32
      %dma_start3A_398 = tpu.memref_slice %arg4[%add3A_386, %dma_start3A_397] : memref<819200x64xf32, #tpu.memory_space<hbm>> -> memref<128x64xf32, #tpu.memory_space<hbm>>
      %dma_start3A_399 = arith.constant 0 : i32
      %dma_start3A_400 = arith.constant 0 : i32
      %dma_start3A_401 = tpu.memref_slice %arg6[%dma_start3A_387, %dma_start3A_399, %dma_start3A_400] : memref<8x128x64xf32, #tpu.memory_space<vmem>> -> memref<1x128x64xf32, #tpu.memory_space<vmem>>
      %dma_start3A_402 = tpu.memref_squeeze %dma_start3A_401 : memref<1x128x64xf32, #tpu.memory_space<vmem>> -> memref<128x64xf32, #tpu.memory_space<vmem>>
      tpu.enqueue_dma source(%dma_start3A_402 : memref<128x64xf32, #tpu.memory_space<vmem>>) target(%dma_start3A_398 : memref<128x64xf32, #tpu.memory_space<hbm>>) target_semaphore(%dma_start3A_396 : memref<!tpu.dma_semaphore, #tpu.memory_space<semaphore_mem>>)
      %add3A_403 = arith.constant 2 : i32
      %add3A_404 = arith.addi %add3A_154, %add3A_403 : i32
      %mul3A_405 = arith.constant 128 : i32
      %mul3A_406 = arith.muli %add3A_404, %mul3A_405 : i32
      %dma_wait3A_407 = arith.constant 2 : i32
      %dma_wait3A_408 = arith.constant 2 : i32
      %dma_wait3A_409 = arith.constant 0 : i32
      %dma_wait3A_410 = arith.constant 0 : i32
      %dma_wait3A_411 = tpu.memref_slice %arg6[%dma_wait3A_407, %dma_wait3A_409, %dma_wait3A_410] : memref<8x128x64xf32, #tpu.memory_space<vmem>> -> memref<1x128x64xf32, #tpu.memory_space<vmem>>
      %dma_wait3A_412 = tpu.memref_squeeze %dma_wait3A_411 : memref<1x128x64xf32, #tpu.memory_space<vmem>> -> memref<128x64xf32, #tpu.memory_space<vmem>>
      %dma_wait3A_413 = tpu.memref_slice %arg5[%mul3A_406] : memref<25600xi32, #tpu.memory_space<vmem>> -> memref<128xi32, #tpu.memory_space<vmem>>
      %dma_wait3A_414 = arith.constant 0 : i32
      %dma_wait3A_415 = arith.constant 0 : i32
      %dma_wait3A_416 = tpu.memref_slice %arg2[%dma_wait3A_414, %dma_wait3A_415] : memref<1000000x64xf32, #tpu.memory_space<hbm>> -> memref<1000000x64xf32, #tpu.memory_space<hbm>>
      %dma_wait3A_417 = tpu.memref_slice %arg7[%dma_wait3A_408] : memref<8x!tpu.dma_semaphore, #tpu.memory_space<semaphore_mem>> -> memref<1x!tpu.dma_semaphore, #tpu.memory_space<semaphore_mem>>
      %dma_wait3A_418 = tpu.memref_squeeze %dma_wait3A_417 : memref<1x!tpu.dma_semaphore, #tpu.memory_space<semaphore_mem>> -> memref<!tpu.dma_semaphore, #tpu.memory_space<semaphore_mem>>
      tpu.wait_indirect_dma semaphore(%dma_wait3A_418 : memref<!tpu.dma_semaphore, #tpu.memory_space<semaphore_mem>>) src(%dma_wait3A_416 : memref<1000000x64xf32, #tpu.memory_space<hbm>>) dst(%dma_wait3A_412 : memref<128x64xf32, #tpu.memory_space<vmem>>)
      %scan3A_419 = arith.constant 0 : i32
      %scan3A_420 = arith.constant 128 : i32
      %scan3A_421 = arith.addi %scan3A_419, %scan3A_420 : i32
      %scan3A_422 = arith.constant 1 : i32
      scf.for %scan3A_655 = %scan3A_419 to %scan3A_421 step %scan3A_422  : i32 {
        %mul3A_656 = arith.constant 1 : i32
        %mul3A_657 = arith.muli %scan3A_655, %mul3A_656 : i32
        %add3A_658 = arith.constant 0 : i32
        %add3A_659 = arith.addi %add3A_658, %mul3A_657 : i32
        %get3A = arith.constant 2 : i32
        %get3A_660 = arith.constant 0 : i32
        %get3A_661 = arith.constant 0 : i32
        %get3A_662 = tpu.memref_slice %arg6[%get3A, %get3A_660, %get3A_661] : memref<8x128x64xf32, #tpu.memory_space<vmem>> -> memref<1x128x64xf32, #tpu.memory_space<vmem>>
        %get3A_663 = tpu.memref_squeeze %get3A_662 : memref<1x128x64xf32, #tpu.memory_space<vmem>> -> memref<128x64xf32, #tpu.memory_space<vmem>>
        %get3A_664 = arith.index_cast %add3A_659 : i32 to index
        %get3A_665 = arith.constant 0 : index
        %get3A_666 = tpu.vector_load %get3A_663[%get3A_664, %get3A_665] {strides = array<i32>} : memref<128x64xf32, #tpu.memory_space<vmem>>, vector<1x16xf32>,
        %get3A_667 = vector.shape_cast %get3A_666 : vector<1x16xf32> to vector<1x16xf32>
        %mul3A_668 = arith.constant 8.000000e+00 : f32
        %mul3A_669 = vector.broadcast %mul3A_668 : f32 to vector<1x16xf32>
        %mul3A_670 = arith.mulf %get3A_667, %mul3A_669 : vector<1x16xf32>
        %swap3A = arith.constant 2 : i32
        %swap3A_671 = arith.constant 0 : i32
        %swap3A_672 = arith.constant 0 : i32
        %swap3A_673 = tpu.memref_slice %arg6[%swap3A, %swap3A_671, %swap3A_672] : memref<8x128x64xf32, #tpu.memory_space<vmem>> -> memref<1x128x64xf32, #tpu.memory_space<vmem>>
        %swap3A_674 = tpu.memref_squeeze %swap3A_673 : memref<1x128x64xf32, #tpu.memory_space<vmem>> -> memref<128x64xf32, #tpu.memory_space<vmem>>
        %swap3A_675 = arith.index_cast %add3A_659 : i32 to index
        %swap3A_676 = arith.constant 0 : index
        %swap3A_677 = tpu.vector_load %swap3A_674[%swap3A_675, %swap3A_676] {strides = array<i32>} : memref<128x64xf32, #tpu.memory_space<vmem>>, vector<1x16xf32>,
        %swap3A_678 = vector.shape_cast %swap3A_677 : vector<1x16xf32> to vector<1x16xf32>
        %swap3A_679 = vector.shape_cast %mul3A_670 : vector<1x16xf32> to vector<1x16xf32>
        tpu.vector_store %swap3A_674[%swap3A_675, %swap3A_676], %swap3A_679 {strides = array<i32>} : memref<128x64xf32, #tpu.memory_space<vmem>>, vector<1x16xf32>,
        %get3A_680 = arith.constant 2 : i32
        %get3A_681 = arith.constant 0 : i32
        %get3A_682 = arith.constant 0 : i32
        %get3A_683 = tpu.memref_slice %arg6[%get3A_680, %get3A_681, %get3A_682] : memref<8x128x64xf32, #tpu.memory_space<vmem>> -> memref<1x128x64xf32, #tpu.memory_space<vmem>>
        %get3A_684 = tpu.memref_squeeze %get3A_683 : memref<1x128x64xf32, #tpu.memory_space<vmem>> -> memref<128x64xf32, #tpu.memory_space<vmem>>
        %get3A_685 = arith.index_cast %add3A_659 : i32 to index
        %get3A_686 = arith.constant 16 : index
        %get3A_687 = tpu.vector_load %get3A_684[%get3A_685, %get3A_686] {strides = array<i32>} : memref<128x64xf32, #tpu.memory_space<vmem>>, vector<1x16xf32>,
        %get3A_688 = vector.shape_cast %get3A_687 : vector<1x16xf32> to vector<1x16xf32>
        %mul3A_689 = arith.constant 8.000000e+00 : f32
        %mul3A_690 = vector.broadcast %mul3A_689 : f32 to vector<1x16xf32>
        %mul3A_691 = arith.mulf %get3A_688, %mul3A_690 : vector<1x16xf32>
        %swap3A_692 = arith.constant 2 : i32
        %swap3A_693 = arith.constant 0 : i32
        %swap3A_694 = arith.constant 0 : i32
        %swap3A_695 = tpu.memref_slice %arg6[%swap3A_692, %swap3A_693, %swap3A_694] : memref<8x128x64xf32, #tpu.memory_space<vmem>> -> memref<1x128x64xf32, #tpu.memory_space<vmem>>
        %swap3A_696 = tpu.memref_squeeze %swap3A_695 : memref<1x128x64xf32, #tpu.memory_space<vmem>> -> memref<128x64xf32, #tpu.memory_space<vmem>>
        %swap3A_697 = arith.index_cast %add3A_659 : i32 to index
        %swap3A_698 = arith.constant 16 : index
        %swap3A_699 = tpu.vector_load %swap3A_696[%swap3A_697, %swap3A_698] {strides = array<i32>} : memref<128x64xf32, #tpu.memory_space<vmem>>, vector<1x16xf32>,
        %swap3A_700 = vector.shape_cast %swap3A_699 : vector<1x16xf32> to vector<1x16xf32>
        %swap3A_701 = vector.shape_cast %mul3A_691 : vector<1x16xf32> to vector<1x16xf32>
        tpu.vector_store %swap3A_696[%swap3A_697, %swap3A_698], %swap3A_701 {strides = array<i32>} : memref<128x64xf32, #tpu.memory_space<vmem>>, vector<1x16xf32>,
        %get3A_702 = arith.constant 2 : i32
        %get3A_703 = arith.constant 0 : i32
        %get3A_704 = arith.constant 0 : i32
        %get3A_705 = tpu.memref_slice %arg6[%get3A_702, %get3A_703, %get3A_704] : memref<8x128x64xf32, #tpu.memory_space<vmem>> -> memref<1x128x64xf32, #tpu.memory_space<vmem>>
        %get3A_706 = tpu.memref_squeeze %get3A_705 : memref<1x128x64xf32, #tpu.memory_space<vmem>> -> memref<128x64xf32, #tpu.memory_space<vmem>>
        %get3A_707 = arith.index_cast %add3A_659 : i32 to index
        %get3A_708 = arith.constant 32 : index
        %get3A_709 = tpu.vector_load %get3A_706[%get3A_707, %get3A_708] {strides = array<i32>} : memref<128x64xf32, #tpu.memory_space<vmem>>, vector<1x16xf32>,
        %get3A_710 = vector.shape_cast %get3A_709 : vector<1x16xf32> to vector<1x16xf32>
        %mul3A_711 = arith.constant 8.000000e+00 : f32
        %mul3A_712 = vector.broadcast %mul3A_711 : f32 to vector<1x16xf32>
        %mul3A_713 = arith.mulf %get3A_710, %mul3A_712 : vector<1x16xf32>
        %swap3A_714 = arith.constant 2 : i32
        %swap3A_715 = arith.constant 0 : i32
        %swap3A_716 = arith.constant 0 : i32
        %swap3A_717 = tpu.memref_slice %arg6[%swap3A_714, %swap3A_715, %swap3A_716] : memref<8x128x64xf32, #tpu.memory_space<vmem>> -> memref<1x128x64xf32, #tpu.memory_space<vmem>>
        %swap3A_718 = tpu.memref_squeeze %swap3A_717 : memref<1x128x64xf32, #tpu.memory_space<vmem>> -> memref<128x64xf32, #tpu.memory_space<vmem>>
        %swap3A_719 = arith.index_cast %add3A_659 : i32 to index
        %swap3A_720 = arith.constant 32 : index
        %swap3A_721 = tpu.vector_load %swap3A_718[%swap3A_719, %swap3A_720] {strides = array<i32>} : memref<128x64xf32, #tpu.memory_space<vmem>>, vector<1x16xf32>,
        %swap3A_722 = vector.shape_cast %swap3A_721 : vector<1x16xf32> to vector<1x16xf32>
        %swap3A_723 = vector.shape_cast %mul3A_713 : vector<1x16xf32> to vector<1x16xf32>
        tpu.vector_store %swap3A_718[%swap3A_719, %swap3A_720], %swap3A_723 {strides = array<i32>} : memref<128x64xf32, #tpu.memory_space<vmem>>, vector<1x16xf32>,
        %get3A_724 = arith.constant 2 : i32
        %get3A_725 = arith.constant 0 : i32
        %get3A_726 = arith.constant 0 : i32
        %get3A_727 = tpu.memref_slice %arg6[%get3A_724, %get3A_725, %get3A_726] : memref<8x128x64xf32, #tpu.memory_space<vmem>> -> memref<1x128x64xf32, #tpu.memory_space<vmem>>
        %get3A_728 = tpu.memref_squeeze %get3A_727 : memref<1x128x64xf32, #tpu.memory_space<vmem>> -> memref<128x64xf32, #tpu.memory_space<vmem>>
        %get3A_729 = arith.index_cast %add3A_659 : i32 to index
        %get3A_730 = arith.constant 48 : index
        %get3A_731 = tpu.vector_load %get3A_728[%get3A_729, %get3A_730] {strides = array<i32>} : memref<128x64xf32, #tpu.memory_space<vmem>>, vector<1x16xf32>,
        %get3A_732 = vector.shape_cast %get3A_731 : vector<1x16xf32> to vector<1x16xf32>
        %mul3A_733 = arith.constant 8.000000e+00 : f32
        %mul3A_734 = vector.broadcast %mul3A_733 : f32 to vector<1x16xf32>
        %mul3A_735 = arith.mulf %get3A_732, %mul3A_734 : vector<1x16xf32>
        %swap3A_736 = arith.constant 2 : i32
        %swap3A_737 = arith.constant 0 : i32
        %swap3A_738 = arith.constant 0 : i32
        %swap3A_739 = tpu.memref_slice %arg6[%swap3A_736, %swap3A_737, %swap3A_738] : memref<8x128x64xf32, #tpu.memory_space<vmem>> -> memref<1x128x64xf32, #tpu.memory_space<vmem>>
        %swap3A_740 = tpu.memref_squeeze %swap3A_739 : memref<1x128x64xf32, #tpu.memory_space<vmem>> -> memref<128x64xf32, #tpu.memory_space<vmem>>
        %swap3A_741 = arith.index_cast %add3A_659 : i32 to index
        %swap3A_742 = arith.constant 48 : index
        %swap3A_743 = tpu.vector_load %swap3A_740[%swap3A_741, %swap3A_742] {strides = array<i32>} : memref<128x64xf32, #tpu.memory_space<vmem>>, vector<1x16xf32>,
        %swap3A_744 = vector.shape_cast %swap3A_743 : vector<1x16xf32> to vector<1x16xf32>
        %swap3A_745 = vector.shape_cast %mul3A_735 : vector<1x16xf32> to vector<1x16xf32>
        tpu.vector_store %swap3A_740[%swap3A_741, %swap3A_742], %swap3A_745 {strides = array<i32>} : memref<128x64xf32, #tpu.memory_space<vmem>>, vector<1x16xf32>,
      }
      %scan3A_423 = arith.constant 128 : i32
      %add3A_424 = arith.constant 2 : i32
      %add3A_425 = arith.addi %add3A_154, %add3A_424 : i32
      %mul3A_426 = arith.constant 128 : i32
      %mul3A_427 = arith.muli %add3A_425, %mul3A_426 : i32
      %add3A_428 = arith.addi %mul3A_2, %mul3A_427 : i32
      %dma_start3A_429 = arith.constant 2 : i32
      %dma_start3A_430 = arith.constant 2 : i32
      %dma_start3A_431 = arith.constant 0 : i32
      %dma_start3A_432 = arith.constant 0 : i32
      %dma_start3A_433 = tpu.memref_slice %arg6[%dma_start3A_429, %dma_start3A_431, %dma_start3A_432] : memref<8x128x64xf32, #tpu.memory_space<vmem>> -> memref<1x128x64xf32, #tpu.memory_space<vmem>>
      %dma_start3A_434 = tpu.memref_squeeze %dma_start3A_433 : memref<1x128x64xf32, #tpu.memory_space<vmem>> -> memref<128x64xf32, #tpu.memory_space<vmem>>
      %dma_start3A_435 = arith.constant 0 : i32
      %dma_start3A_436 = tpu.memref_slice %arg4[%add3A_428, %dma_start3A_435] : memref<819200x64xf32, #tpu.memory_space<hbm>> -> memref<128x64xf32, #tpu.memory_space<hbm>>
      %dma_start3A_437 = tpu.memref_slice %arg8[%dma_start3A_430] : memref<8x!tpu.dma_semaphore, #tpu.memory_space<semaphore_mem>> -> memref<1x!tpu.dma_semaphore, #tpu.memory_space<semaphore_mem>>
      %dma_start3A_438 = tpu.memref_squeeze %dma_start3A_437 : memref<1x!tpu.dma_semaphore, #tpu.memory_space<semaphore_mem>> -> memref<!tpu.dma_semaphore, #tpu.memory_space<semaphore_mem>>
      %dma_start3A_439 = arith.constant 0 : i32
      %dma_start3A_440 = tpu.memref_slice %arg4[%add3A_428, %dma_start3A_439] : memref<819200x64xf32, #tpu.memory_space<hbm>> -> memref<128x64xf32, #tpu.memory_space<hbm>>
      %dma_start3A_441 = arith.constant 0 : i32
      %dma_start3A_442 = arith.constant 0 : i32
      %dma_start3A_443 = tpu.memref_slice %arg6[%dma_start3A_429, %dma_start3A_441, %dma_start3A_442] : memref<8x128x64xf32, #tpu.memory_space<vmem>> -> memref<1x128x64xf32, #tpu.memory_space<vmem>>
      %dma_start3A_444 = tpu.memref_squeeze %dma_start3A_443 : memref<1x128x64xf32, #tpu.memory_space<vmem>> -> memref<128x64xf32, #tpu.memory_space<vmem>>
      tpu.enqueue_dma source(%dma_start3A_444 : memref<128x64xf32, #tpu.memory_space<vmem>>) target(%dma_start3A_440 : memref<128x64xf32, #tpu.memory_space<hbm>>) target_semaphore(%dma_start3A_438 : memref<!tpu.dma_semaphore, #tpu.memory_space<semaphore_mem>>)
      %add3A_445 = arith.constant 3 : i32
      %add3A_446 = arith.addi %add3A_154, %add3A_445 : i32
      %mul3A_447 = arith.constant 128 : i32
      %mul3A_448 = arith.muli %add3A_446, %mul3A_447 : i32
      %dma_wait3A_449 = arith.constant 3 : i32
      %dma_wait3A_450 = arith.constant 3 : i32
      %dma_wait3A_451 = arith.constant 0 : i32
      %dma_wait3A_452 = arith.constant 0 : i32
      %dma_wait3A_453 = tpu.memref_slice %arg6[%dma_wait3A_449, %dma_wait3A_451, %dma_wait3A_452] : memref<8x128x64xf32, #tpu.memory_space<vmem>> -> memref<1x128x64xf32, #tpu.memory_space<vmem>>
      %dma_wait3A_454 = tpu.memref_squeeze %dma_wait3A_453 : memref<1x128x64xf32, #tpu.memory_space<vmem>> -> memref<128x64xf32, #tpu.memory_space<vmem>>
      %dma_wait3A_455 = tpu.memref_slice %arg5[%mul3A_448] : memref<25600xi32, #tpu.memory_space<vmem>> -> memref<128xi32, #tpu.memory_space<vmem>>
      %dma_wait3A_456 = arith.constant 0 : i32
      %dma_wait3A_457 = arith.constant 0 : i32
      %dma_wait3A_458 = tpu.memref_slice %arg2[%dma_wait3A_456, %dma_wait3A_457] : memref<1000000x64xf32, #tpu.memory_space<hbm>> -> memref<1000000x64xf32, #tpu.memory_space<hbm>>
      %dma_wait3A_459 = tpu.memref_slice %arg7[%dma_wait3A_450] : memref<8x!tpu.dma_semaphore, #tpu.memory_space<semaphore_mem>> -> memref<1x!tpu.dma_semaphore, #tpu.memory_space<semaphore_mem>>
      %dma_wait3A_460 = tpu.memref_squeeze %dma_wait3A_459 : memref<1x!tpu.dma_semaphore, #tpu.memory_space<semaphore_mem>> -> memref<!tpu.dma_semaphore, #tpu.memory_space<semaphore_mem>>
      tpu.wait_indirect_dma semaphore(%dma_wait3A_460 : memref<!tpu.dma_semaphore, #tpu.memory_space<semaphore_mem>>) src(%dma_wait3A_458 : memref<1000000x64xf32, #tpu.memory_space<hbm>>) dst(%dma_wait3A_454 : memref<128x64xf32, #tpu.memory_space<vmem>>)
      %scan3A_461 = arith.constant 0 : i32
      %scan3A_462 = arith.constant 128 : i32
      %scan3A_463 = arith.addi %scan3A_461, %scan3A_462 : i32
      %scan3A_464 = arith.constant 1 : i32
      scf.for %scan3A_655 = %scan3A_461 to %scan3A_463 step %scan3A_464  : i32 {
        %mul3A_656 = arith.constant 1 : i32
        %mul3A_657 = arith.muli %scan3A_655, %mul3A_656 : i32
        %add3A_658 = arith.constant 0 : i32
        %add3A_659 = arith.addi %add3A_658, %mul3A_657 : i32
        %get3A = arith.constant 3 : i32
        %get3A_660 = arith.constant 0 : i32
        %get3A_661 = arith.constant 0 : i32
        %get3A_662 = tpu.memref_slice %arg6[%get3A, %get3A_660, %get3A_661] : memref<8x128x64xf32, #tpu.memory_space<vmem>> -> memref<1x128x64xf32, #tpu.memory_space<vmem>>
        %get3A_663 = tpu.memref_squeeze %get3A_662 : memref<1x128x64xf32, #tpu.memory_space<vmem>> -> memref<128x64xf32, #tpu.memory_space<vmem>>
        %get3A_664 = arith.index_cast %add3A_659 : i32 to index
        %get3A_665 = arith.constant 0 : index
        %get3A_666 = tpu.vector_load %get3A_663[%get3A_664, %get3A_665] {strides = array<i32>} : memref<128x64xf32, #tpu.memory_space<vmem>>, vector<1x16xf32>,
        %get3A_667 = vector.shape_cast %get3A_666 : vector<1x16xf32> to vector<1x16xf32>
        %mul3A_668 = arith.constant 8.000000e+00 : f32
        %mul3A_669 = vector.broadcast %mul3A_668 : f32 to vector<1x16xf32>
        %mul3A_670 = arith.mulf %get3A_667, %mul3A_669 : vector<1x16xf32>
        %swap3A = arith.constant 3 : i32
        %swap3A_671 = arith.constant 0 : i32
        %swap3A_672 = arith.constant 0 : i32
        %swap3A_673 = tpu.memref_slice %arg6[%swap3A, %swap3A_671, %swap3A_672] : memref<8x128x64xf32, #tpu.memory_space<vmem>> -> memref<1x128x64xf32, #tpu.memory_space<vmem>>
        %swap3A_674 = tpu.memref_squeeze %swap3A_673 : memref<1x128x64xf32, #tpu.memory_space<vmem>> -> memref<128x64xf32, #tpu.memory_space<vmem>>
        %swap3A_675 = arith.index_cast %add3A_659 : i32 to index
        %swap3A_676 = arith.constant 0 : index
        %swap3A_677 = tpu.vector_load %swap3A_674[%swap3A_675, %swap3A_676] {strides = array<i32>} : memref<128x64xf32, #tpu.memory_space<vmem>>, vector<1x16xf32>,
        %swap3A_678 = vector.shape_cast %swap3A_677 : vector<1x16xf32> to vector<1x16xf32>
        %swap3A_679 = vector.shape_cast %mul3A_670 : vector<1x16xf32> to vector<1x16xf32>
        tpu.vector_store %swap3A_674[%swap3A_675, %swap3A_676], %swap3A_679 {strides = array<i32>} : memref<128x64xf32, #tpu.memory_space<vmem>>, vector<1x16xf32>,
        %get3A_680 = arith.constant 3 : i32
        %get3A_681 = arith.constant 0 : i32
        %get3A_682 = arith.constant 0 : i32
        %get3A_683 = tpu.memref_slice %arg6[%get3A_680, %get3A_681, %get3A_682] : memref<8x128x64xf32, #tpu.memory_space<vmem>> -> memref<1x128x64xf32, #tpu.memory_space<vmem>>
        %get3A_684 = tpu.memref_squeeze %get3A_683 : memref<1x128x64xf32, #tpu.memory_space<vmem>> -> memref<128x64xf32, #tpu.memory_space<vmem>>
        %get3A_685 = arith.index_cast %add3A_659 : i32 to index
        %get3A_686 = arith.constant 16 : index
        %get3A_687 = tpu.vector_load %get3A_684[%get3A_685, %get3A_686] {strides = array<i32>} : memref<128x64xf32, #tpu.memory_space<vmem>>, vector<1x16xf32>,
        %get3A_688 = vector.shape_cast %get3A_687 : vector<1x16xf32> to vector<1x16xf32>
        %mul3A_689 = arith.constant 8.000000e+00 : f32
        %mul3A_690 = vector.broadcast %mul3A_689 : f32 to vector<1x16xf32>
        %mul3A_691 = arith.mulf %get3A_688, %mul3A_690 : vector<1x16xf32>
        %swap3A_692 = arith.constant 3 : i32
        %swap3A_693 = arith.constant 0 : i32
        %swap3A_694 = arith.constant 0 : i32
        %swap3A_695 = tpu.memref_slice %arg6[%swap3A_692, %swap3A_693, %swap3A_694] : memref<8x128x64xf32, #tpu.memory_space<vmem>> -> memref<1x128x64xf32, #tpu.memory_space<vmem>>
        %swap3A_696 = tpu.memref_squeeze %swap3A_695 : memref<1x128x64xf32, #tpu.memory_space<vmem>> -> memref<128x64xf32, #tpu.memory_space<vmem>>
        %swap3A_697 = arith.index_cast %add3A_659 : i32 to index
        %swap3A_698 = arith.constant 16 : index
        %swap3A_699 = tpu.vector_load %swap3A_696[%swap3A_697, %swap3A_698] {strides = array<i32>} : memref<128x64xf32, #tpu.memory_space<vmem>>, vector<1x16xf32>,
        %swap3A_700 = vector.shape_cast %swap3A_699 : vector<1x16xf32> to vector<1x16xf32>
        %swap3A_701 = vector.shape_cast %mul3A_691 : vector<1x16xf32> to vector<1x16xf32>
        tpu.vector_store %swap3A_696[%swap3A_697, %swap3A_698], %swap3A_701 {strides = array<i32>} : memref<128x64xf32, #tpu.memory_space<vmem>>, vector<1x16xf32>,
        %get3A_702 = arith.constant 3 : i32
        %get3A_703 = arith.constant 0 : i32
        %get3A_704 = arith.constant 0 : i32
        %get3A_705 = tpu.memref_slice %arg6[%get3A_702, %get3A_703, %get3A_704] : memref<8x128x64xf32, #tpu.memory_space<vmem>> -> memref<1x128x64xf32, #tpu.memory_space<vmem>>
        %get3A_706 = tpu.memref_squeeze %get3A_705 : memref<1x128x64xf32, #tpu.memory_space<vmem>> -> memref<128x64xf32, #tpu.memory_space<vmem>>
        %get3A_707 = arith.index_cast %add3A_659 : i32 to index
        %get3A_708 = arith.constant 32 : index
        %get3A_709 = tpu.vector_load %get3A_706[%get3A_707, %get3A_708] {strides = array<i32>} : memref<128x64xf32, #tpu.memory_space<vmem>>, vector<1x16xf32>,
        %get3A_710 = vector.shape_cast %get3A_709 : vector<1x16xf32> to vector<1x16xf32>
        %mul3A_711 = arith.constant 8.000000e+00 : f32
        %mul3A_712 = vector.broadcast %mul3A_711 : f32 to vector<1x16xf32>
        %mul3A_713 = arith.mulf %get3A_710, %mul3A_712 : vector<1x16xf32>
        %swap3A_714 = arith.constant 3 : i32
        %swap3A_715 = arith.constant 0 : i32
        %swap3A_716 = arith.constant 0 : i32
        %swap3A_717 = tpu.memref_slice %arg6[%swap3A_714, %swap3A_715, %swap3A_716] : memref<8x128x64xf32, #tpu.memory_space<vmem>> -> memref<1x128x64xf32, #tpu.memory_space<vmem>>
        %swap3A_718 = tpu.memref_squeeze %swap3A_717 : memref<1x128x64xf32, #tpu.memory_space<vmem>> -> memref<128x64xf32, #tpu.memory_space<vmem>>
        %swap3A_719 = arith.index_cast %add3A_659 : i32 to index
        %swap3A_720 = arith.constant 32 : index
        %swap3A_721 = tpu.vector_load %swap3A_718[%swap3A_719, %swap3A_720] {strides = array<i32>} : memref<128x64xf32, #tpu.memory_space<vmem>>, vector<1x16xf32>,
        %swap3A_722 = vector.shape_cast %swap3A_721 : vector<1x16xf32> to vector<1x16xf32>
        %swap3A_723 = vector.shape_cast %mul3A_713 : vector<1x16xf32> to vector<1x16xf32>
        tpu.vector_store %swap3A_718[%swap3A_719, %swap3A_720], %swap3A_723 {strides = array<i32>} : memref<128x64xf32, #tpu.memory_space<vmem>>, vector<1x16xf32>,
        %get3A_724 = arith.constant 3 : i32
        %get3A_725 = arith.constant 0 : i32
        %get3A_726 = arith.constant 0 : i32
        %get3A_727 = tpu.memref_slice %arg6[%get3A_724, %get3A_725, %get3A_726] : memref<8x128x64xf32, #tpu.memory_space<vmem>> -> memref<1x128x64xf32, #tpu.memory_space<vmem>>
        %get3A_728 = tpu.memref_squeeze %get3A_727 : memref<1x128x64xf32, #tpu.memory_space<vmem>> -> memref<128x64xf32, #tpu.memory_space<vmem>>
        %get3A_729 = arith.index_cast %add3A_659 : i32 to index
        %get3A_730 = arith.constant 48 : index
        %get3A_731 = tpu.vector_load %get3A_728[%get3A_729, %get3A_730] {strides = array<i32>} : memref<128x64xf32, #tpu.memory_space<vmem>>, vector<1x16xf32>,
        %get3A_732 = vector.shape_cast %get3A_731 : vector<1x16xf32> to vector<1x16xf32>
        %mul3A_733 = arith.constant 8.000000e+00 : f32
        %mul3A_734 = vector.broadcast %mul3A_733 : f32 to vector<1x16xf32>
        %mul3A_735 = arith.mulf %get3A_732, %mul3A_734 : vector<1x16xf32>
        %swap3A_736 = arith.constant 3 : i32
        %swap3A_737 = arith.constant 0 : i32
        %swap3A_738 = arith.constant 0 : i32
        %swap3A_739 = tpu.memref_slice %arg6[%swap3A_736, %swap3A_737, %swap3A_738] : memref<8x128x64xf32, #tpu.memory_space<vmem>> -> memref<1x128x64xf32, #tpu.memory_space<vmem>>
        %swap3A_740 = tpu.memref_squeeze %swap3A_739 : memref<1x128x64xf32, #tpu.memory_space<vmem>> -> memref<128x64xf32, #tpu.memory_space<vmem>>
        %swap3A_741 = arith.index_cast %add3A_659 : i32 to index
        %swap3A_742 = arith.constant 48 : index
        %swap3A_743 = tpu.vector_load %swap3A_740[%swap3A_741, %swap3A_742] {strides = array<i32>} : memref<128x64xf32, #tpu.memory_space<vmem>>, vector<1x16xf32>,
        %swap3A_744 = vector.shape_cast %swap3A_743 : vector<1x16xf32> to vector<1x16xf32>
        %swap3A_745 = vector.shape_cast %mul3A_735 : vector<1x16xf32> to vector<1x16xf32>
        tpu.vector_store %swap3A_740[%swap3A_741, %swap3A_742], %swap3A_745 {strides = array<i32>} : memref<128x64xf32, #tpu.memory_space<vmem>>, vector<1x16xf32>,
      }
      %scan3A_465 = arith.constant 128 : i32
      %add3A_466 = arith.constant 3 : i32
      %add3A_467 = arith.addi %add3A_154, %add3A_466 : i32
      %mul3A_468 = arith.constant 128 : i32
      %mul3A_469 = arith.muli %add3A_467, %mul3A_468 : i32
      %add3A_470 = arith.addi %mul3A_2, %mul3A_469 : i32
      %dma_start3A_471 = arith.constant 3 : i32
      %dma_start3A_472 = arith.constant 3 : i32
      %dma_start3A_473 = arith.constant 0 : i32
      %dma_start3A_474 = arith.constant 0 : i32
      %dma_start3A_475 = tpu.memref_slice %arg6[%dma_start3A_471, %dma_start3A_473, %dma_start3A_474] : memref<8x128x64xf32, #tpu.memory_space<vmem>> -> memref<1x128x64xf32, #tpu.memory_space<vmem>>
      %dma_start3A_476 = tpu.memref_squeeze %dma_start3A_475 : memref<1x128x64xf32, #tpu.memory_space<vmem>> -> memref<128x64xf32, #tpu.memory_space<vmem>>
      %dma_start3A_477 = arith.constant 0 : i32
      %dma_start3A_478 = tpu.memref_slice %arg4[%add3A_470, %dma_start3A_477] : memref<819200x64xf32, #tpu.memory_space<hbm>> -> memref<128x64xf32, #tpu.memory_space<hbm>>
      %dma_start3A_479 = tpu.memref_slice %arg8[%dma_start3A_472] : memref<8x!tpu.dma_semaphore, #tpu.memory_space<semaphore_mem>> -> memref<1x!tpu.dma_semaphore, #tpu.memory_space<semaphore_mem>>
      %dma_start3A_480 = tpu.memref_squeeze %dma_start3A_479 : memref<1x!tpu.dma_semaphore, #tpu.memory_space<semaphore_mem>> -> memref<!tpu.dma_semaphore, #tpu.memory_space<semaphore_mem>>
      %dma_start3A_481 = arith.constant 0 : i32
      %dma_start3A_482 = tpu.memref_slice %arg4[%add3A_470, %dma_start3A_481] : memref<819200x64xf32, #tpu.memory_space<hbm>> -> memref<128x64xf32, #tpu.memory_space<hbm>>
      %dma_start3A_483 = arith.constant 0 : i32
      %dma_start3A_484 = arith.constant 0 : i32
      %dma_start3A_485 = tpu.memref_slice %arg6[%dma_start3A_471, %dma_start3A_483, %dma_start3A_484] : memref<8x128x64xf32, #tpu.memory_space<vmem>> -> memref<1x128x64xf32, #tpu.memory_space<vmem>>
      %dma_start3A_486 = tpu.memref_squeeze %dma_start3A_485 : memref<1x128x64xf32, #tpu.memory_space<vmem>> -> memref<128x64xf32, #tpu.memory_space<vmem>>
      tpu.enqueue_dma source(%dma_start3A_486 : memref<128x64xf32, #tpu.memory_space<vmem>>) target(%dma_start3A_482 : memref<128x64xf32, #tpu.memory_space<hbm>>) target_semaphore(%dma_start3A_480 : memref<!tpu.dma_semaphore, #tpu.memory_space<semaphore_mem>>)
      %add3A_487 = arith.constant 4 : i32
      %add3A_488 = arith.addi %add3A_154, %add3A_487 : i32
      %mul3A_489 = arith.constant 128 : i32
      %mul3A_490 = arith.muli %add3A_488, %mul3A_489 : i32
      %dma_wait3A_491 = arith.constant 4 : i32
      %dma_wait3A_492 = arith.constant 4 : i32
      %dma_wait3A_493 = arith.constant 0 : i32
      %dma_wait3A_494 = arith.constant 0 : i32
      %dma_wait3A_495 = tpu.memref_slice %arg6[%dma_wait3A_491, %dma_wait3A_493, %dma_wait3A_494] : memref<8x128x64xf32, #tpu.memory_space<vmem>> -> memref<1x128x64xf32, #tpu.memory_space<vmem>>
      %dma_wait3A_496 = tpu.memref_squeeze %dma_wait3A_495 : memref<1x128x64xf32, #tpu.memory_space<vmem>> -> memref<128x64xf32, #tpu.memory_space<vmem>>
      %dma_wait3A_497 = tpu.memref_slice %arg5[%mul3A_490] : memref<25600xi32, #tpu.memory_space<vmem>> -> memref<128xi32, #tpu.memory_space<vmem>>
      %dma_wait3A_498 = arith.constant 0 : i32
      %dma_wait3A_499 = arith.constant 0 : i32
      %dma_wait3A_500 = tpu.memref_slice %arg2[%dma_wait3A_498, %dma_wait3A_499] : memref<1000000x64xf32, #tpu.memory_space<hbm>> -> memref<1000000x64xf32, #tpu.memory_space<hbm>>
      %dma_wait3A_501 = tpu.memref_slice %arg7[%dma_wait3A_492] : memref<8x!tpu.dma_semaphore, #tpu.memory_space<semaphore_mem>> -> memref<1x!tpu.dma_semaphore, #tpu.memory_space<semaphore_mem>>
      %dma_wait3A_502 = tpu.memref_squeeze %dma_wait3A_501 : memref<1x!tpu.dma_semaphore, #tpu.memory_space<semaphore_mem>> -> memref<!tpu.dma_semaphore, #tpu.memory_space<semaphore_mem>>
      tpu.wait_indirect_dma semaphore(%dma_wait3A_502 : memref<!tpu.dma_semaphore, #tpu.memory_space<semaphore_mem>>) src(%dma_wait3A_500 : memref<1000000x64xf32, #tpu.memory_space<hbm>>) dst(%dma_wait3A_496 : memref<128x64xf32, #tpu.memory_space<vmem>>)
      %scan3A_503 = arith.constant 0 : i32
      %scan3A_504 = arith.constant 128 : i32
      %scan3A_505 = arith.addi %scan3A_503, %scan3A_504 : i32
      %scan3A_506 = arith.constant 1 : i32
      scf.for %scan3A_655 = %scan3A_503 to %scan3A_505 step %scan3A_506  : i32 {
        %mul3A_656 = arith.constant 1 : i32
        %mul3A_657 = arith.muli %scan3A_655, %mul3A_656 : i32
        %add3A_658 = arith.constant 0 : i32
        %add3A_659 = arith.addi %add3A_658, %mul3A_657 : i32
        %get3A = arith.constant 4 : i32
        %get3A_660 = arith.constant 0 : i32
        %get3A_661 = arith.constant 0 : i32
        %get3A_662 = tpu.memref_slice %arg6[%get3A, %get3A_660, %get3A_661] : memref<8x128x64xf32, #tpu.memory_space<vmem>> -> memref<1x128x64xf32, #tpu.memory_space<vmem>>
        %get3A_663 = tpu.memref_squeeze %get3A_662 : memref<1x128x64xf32, #tpu.memory_space<vmem>> -> memref<128x64xf32, #tpu.memory_space<vmem>>
        %get3A_664 = arith.index_cast %add3A_659 : i32 to index
        %get3A_665 = arith.constant 0 : index
        %get3A_666 = tpu.vector_load %get3A_663[%get3A_664, %get3A_665] {strides = array<i32>} : memref<128x64xf32, #tpu.memory_space<vmem>>, vector<1x16xf32>,
        %get3A_667 = vector.shape_cast %get3A_666 : vector<1x16xf32> to vector<1x16xf32>
        %mul3A_668 = arith.constant 8.000000e+00 : f32
        %mul3A_669 = vector.broadcast %mul3A_668 : f32 to vector<1x16xf32>
        %mul3A_670 = arith.mulf %get3A_667, %mul3A_669 : vector<1x16xf32>
        %swap3A = arith.constant 4 : i32
        %swap3A_671 = arith.constant 0 : i32
        %swap3A_672 = arith.constant 0 : i32
        %swap3A_673 = tpu.memref_slice %arg6[%swap3A, %swap3A_671, %swap3A_672] : memref<8x128x64xf32, #tpu.memory_space<vmem>> -> memref<1x128x64xf32, #tpu.memory_space<vmem>>
        %swap3A_674 = tpu.memref_squeeze %swap3A_673 : memref<1x128x64xf32, #tpu.memory_space<vmem>> -> memref<128x64xf32, #tpu.memory_space<vmem>>
        %swap3A_675 = arith.index_cast %add3A_659 : i32 to index
        %swap3A_676 = arith.constant 0 : index
        %swap3A_677 = tpu.vector_load %swap3A_674[%swap3A_675, %swap3A_676] {strides = array<i32>} : memref<128x64xf32, #tpu.memory_space<vmem>>, vector<1x16xf32>,
        %swap3A_678 = vector.shape_cast %swap3A_677 : vector<1x16xf32> to vector<1x16xf32>
        %swap3A_679 = vector.shape_cast %mul3A_670 : vector<1x16xf32> to vector<1x16xf32>
        tpu.vector_store %swap3A_674[%swap3A_675, %swap3A_676], %swap3A_679 {strides = array<i32>} : memref<128x64xf32, #tpu.memory_space<vmem>>, vector<1x16xf32>,
        %get3A_680 = arith.constant 4 : i32
        %get3A_681 = arith.constant 0 : i32
        %get3A_682 = arith.constant 0 : i32
        %get3A_683 = tpu.memref_slice %arg6[%get3A_680, %get3A_681, %get3A_682] : memref<8x128x64xf32, #tpu.memory_space<vmem>> -> memref<1x128x64xf32, #tpu.memory_space<vmem>>
        %get3A_684 = tpu.memref_squeeze %get3A_683 : memref<1x128x64xf32, #tpu.memory_space<vmem>> -> memref<128x64xf32, #tpu.memory_space<vmem>>
        %get3A_685 = arith.index_cast %add3A_659 : i32 to index
        %get3A_686 = arith.constant 16 : index
        %get3A_687 = tpu.vector_load %get3A_684[%get3A_685, %get3A_686] {strides = array<i32>} : memref<128x64xf32, #tpu.memory_space<vmem>>, vector<1x16xf32>,
        %get3A_688 = vector.shape_cast %get3A_687 : vector<1x16xf32> to vector<1x16xf32>
        %mul3A_689 = arith.constant 8.000000e+00 : f32
        %mul3A_690 = vector.broadcast %mul3A_689 : f32 to vector<1x16xf32>
        %mul3A_691 = arith.mulf %get3A_688, %mul3A_690 : vector<1x16xf32>
        %swap3A_692 = arith.constant 4 : i32
        %swap3A_693 = arith.constant 0 : i32
        %swap3A_694 = arith.constant 0 : i32
        %swap3A_695 = tpu.memref_slice %arg6[%swap3A_692, %swap3A_693, %swap3A_694] : memref<8x128x64xf32, #tpu.memory_space<vmem>> -> memref<1x128x64xf32, #tpu.memory_space<vmem>>
        %swap3A_696 = tpu.memref_squeeze %swap3A_695 : memref<1x128x64xf32, #tpu.memory_space<vmem>> -> memref<128x64xf32, #tpu.memory_space<vmem>>
        %swap3A_697 = arith.index_cast %add3A_659 : i32 to index
        %swap3A_698 = arith.constant 16 : index
        %swap3A_699 = tpu.vector_load %swap3A_696[%swap3A_697, %swap3A_698] {strides = array<i32>} : memref<128x64xf32, #tpu.memory_space<vmem>>, vector<1x16xf32>,
        %swap3A_700 = vector.shape_cast %swap3A_699 : vector<1x16xf32> to vector<1x16xf32>
        %swap3A_701 = vector.shape_cast %mul3A_691 : vector<1x16xf32> to vector<1x16xf32>
        tpu.vector_store %swap3A_696[%swap3A_697, %swap3A_698], %swap3A_701 {strides = array<i32>} : memref<128x64xf32, #tpu.memory_space<vmem>>, vector<1x16xf32>,
        %get3A_702 = arith.constant 4 : i32
        %get3A_703 = arith.constant 0 : i32
        %get3A_704 = arith.constant 0 : i32
        %get3A_705 = tpu.memref_slice %arg6[%get3A_702, %get3A_703, %get3A_704] : memref<8x128x64xf32, #tpu.memory_space<vmem>> -> memref<1x128x64xf32, #tpu.memory_space<vmem>>
        %get3A_706 = tpu.memref_squeeze %get3A_705 : memref<1x128x64xf32, #tpu.memory_space<vmem>> -> memref<128x64xf32, #tpu.memory_space<vmem>>
        %get3A_707 = arith.index_cast %add3A_659 : i32 to index
        %get3A_708 = arith.constant 32 : index
        %get3A_709 = tpu.vector_load %get3A_706[%get3A_707, %get3A_708] {strides = array<i32>} : memref<128x64xf32, #tpu.memory_space<vmem>>, vector<1x16xf32>,
        %get3A_710 = vector.shape_cast %get3A_709 : vector<1x16xf32> to vector<1x16xf32>
        %mul3A_711 = arith.constant 8.000000e+00 : f32
        %mul3A_712 = vector.broadcast %mul3A_711 : f32 to vector<1x16xf32>
        %mul3A_713 = arith.mulf %get3A_710, %mul3A_712 : vector<1x16xf32>
        %swap3A_714 = arith.constant 4 : i32
        %swap3A_715 = arith.constant 0 : i32
        %swap3A_716 = arith.constant 0 : i32
        %swap3A_717 = tpu.memref_slice %arg6[%swap3A_714, %swap3A_715, %swap3A_716] : memref<8x128x64xf32, #tpu.memory_space<vmem>> -> memref<1x128x64xf32, #tpu.memory_space<vmem>>
        %swap3A_718 = tpu.memref_squeeze %swap3A_717 : memref<1x128x64xf32, #tpu.memory_space<vmem>> -> memref<128x64xf32, #tpu.memory_space<vmem>>
        %swap3A_719 = arith.index_cast %add3A_659 : i32 to index
        %swap3A_720 = arith.constant 32 : index
        %swap3A_721 = tpu.vector_load %swap3A_718[%swap3A_719, %swap3A_720] {strides = array<i32>} : memref<128x64xf32, #tpu.memory_space<vmem>>, vector<1x16xf32>,
        %swap3A_722 = vector.shape_cast %swap3A_721 : vector<1x16xf32> to vector<1x16xf32>
        %swap3A_723 = vector.shape_cast %mul3A_713 : vector<1x16xf32> to vector<1x16xf32>
        tpu.vector_store %swap3A_718[%swap3A_719, %swap3A_720], %swap3A_723 {strides = array<i32>} : memref<128x64xf32, #tpu.memory_space<vmem>>, vector<1x16xf32>,
        %get3A_724 = arith.constant 4 : i32
        %get3A_725 = arith.constant 0 : i32
        %get3A_726 = arith.constant 0 : i32
        %get3A_727 = tpu.memref_slice %arg6[%get3A_724, %get3A_725, %get3A_726] : memref<8x128x64xf32, #tpu.memory_space<vmem>> -> memref<1x128x64xf32, #tpu.memory_space<vmem>>
        %get3A_728 = tpu.memref_squeeze %get3A_727 : memref<1x128x64xf32, #tpu.memory_space<vmem>> -> memref<128x64xf32, #tpu.memory_space<vmem>>
        %get3A_729 = arith.index_cast %add3A_659 : i32 to index
        %get3A_730 = arith.constant 48 : index
        %get3A_731 = tpu.vector_load %get3A_728[%get3A_729, %get3A_730] {strides = array<i32>} : memref<128x64xf32, #tpu.memory_space<vmem>>, vector<1x16xf32>,
        %get3A_732 = vector.shape_cast %get3A_731 : vector<1x16xf32> to vector<1x16xf32>
        %mul3A_733 = arith.constant 8.000000e+00 : f32
        %mul3A_734 = vector.broadcast %mul3A_733 : f32 to vector<1x16xf32>
        %mul3A_735 = arith.mulf %get3A_732, %mul3A_734 : vector<1x16xf32>
        %swap3A_736 = arith.constant 4 : i32
        %swap3A_737 = arith.constant 0 : i32
        %swap3A_738 = arith.constant 0 : i32
        %swap3A_739 = tpu.memref_slice %arg6[%swap3A_736, %swap3A_737, %swap3A_738] : memref<8x128x64xf32, #tpu.memory_space<vmem>> -> memref<1x128x64xf32, #tpu.memory_space<vmem>>
        %swap3A_740 = tpu.memref_squeeze %swap3A_739 : memref<1x128x64xf32, #tpu.memory_space<vmem>> -> memref<128x64xf32, #tpu.memory_space<vmem>>
        %swap3A_741 = arith.index_cast %add3A_659 : i32 to index
        %swap3A_742 = arith.constant 48 : index
        %swap3A_743 = tpu.vector_load %swap3A_740[%swap3A_741, %swap3A_742] {strides = array<i32>} : memref<128x64xf32, #tpu.memory_space<vmem>>, vector<1x16xf32>,
        %swap3A_744 = vector.shape_cast %swap3A_743 : vector<1x16xf32> to vector<1x16xf32>
        %swap3A_745 = vector.shape_cast %mul3A_735 : vector<1x16xf32> to vector<1x16xf32>
        tpu.vector_store %swap3A_740[%swap3A_741, %swap3A_742], %swap3A_745 {strides = array<i32>} : memref<128x64xf32, #tpu.memory_space<vmem>>, vector<1x16xf32>,
      }
      %scan3A_507 = arith.constant 128 : i32
      %add3A_508 = arith.constant 4 : i32
      %add3A_509 = arith.addi %add3A_154, %add3A_508 : i32
      %mul3A_510 = arith.constant 128 : i32
      %mul3A_511 = arith.muli %add3A_509, %mul3A_510 : i32
      %add3A_512 = arith.addi %mul3A_2, %mul3A_511 : i32
      %dma_start3A_513 = arith.constant 4 : i32
      %dma_start3A_514 = arith.constant 4 : i32
      %dma_start3A_515 = arith.constant 0 : i32
      %dma_start3A_516 = arith.constant 0 : i32
      %dma_start3A_517 = tpu.memref_slice %arg6[%dma_start3A_513, %dma_start3A_515, %dma_start3A_516] : memref<8x128x64xf32, #tpu.memory_space<vmem>> -> memref<1x128x64xf32, #tpu.memory_space<vmem>>
      %dma_start3A_518 = tpu.memref_squeeze %dma_start3A_517 : memref<1x128x64xf32, #tpu.memory_space<vmem>> -> memref<128x64xf32, #tpu.memory_space<vmem>>
      %dma_start3A_519 = arith.constant 0 : i32
      %dma_start3A_520 = tpu.memref_slice %arg4[%add3A_512, %dma_start3A_519] : memref<819200x64xf32, #tpu.memory_space<hbm>> -> memref<128x64xf32, #tpu.memory_space<hbm>>
      %dma_start3A_521 = tpu.memref_slice %arg8[%dma_start3A_514] : memref<8x!tpu.dma_semaphore, #tpu.memory_space<semaphore_mem>> -> memref<1x!tpu.dma_semaphore, #tpu.memory_space<semaphore_mem>>
      %dma_start3A_522 = tpu.memref_squeeze %dma_start3A_521 : memref<1x!tpu.dma_semaphore, #tpu.memory_space<semaphore_mem>> -> memref<!tpu.dma_semaphore, #tpu.memory_space<semaphore_mem>>
      %dma_start3A_523 = arith.constant 0 : i32
      %dma_start3A_524 = tpu.memref_slice %arg4[%add3A_512, %dma_start3A_523] : memref<819200x64xf32, #tpu.memory_space<hbm>> -> memref<128x64xf32, #tpu.memory_space<hbm>>
      %dma_start3A_525 = arith.constant 0 : i32
      %dma_start3A_526 = arith.constant 0 : i32
      %dma_start3A_527 = tpu.memref_slice %arg6[%dma_start3A_513, %dma_start3A_525, %dma_start3A_526] : memref<8x128x64xf32, #tpu.memory_space<vmem>> -> memref<1x128x64xf32, #tpu.memory_space<vmem>>
      %dma_start3A_528 = tpu.memref_squeeze %dma_start3A_527 : memref<1x128x64xf32, #tpu.memory_space<vmem>> -> memref<128x64xf32, #tpu.memory_space<vmem>>
      tpu.enqueue_dma source(%dma_start3A_528 : memref<128x64xf32, #tpu.memory_space<vmem>>) target(%dma_start3A_524 : memref<128x64xf32, #tpu.memory_space<hbm>>) target_semaphore(%dma_start3A_522 : memref<!tpu.dma_semaphore, #tpu.memory_space<semaphore_mem>>)
      %add3A_529 = arith.constant 5 : i32
      %add3A_530 = arith.addi %add3A_154, %add3A_529 : i32
      %mul3A_531 = arith.constant 128 : i32
      %mul3A_532 = arith.muli %add3A_530, %mul3A_531 : i32
      %dma_wait3A_533 = arith.constant 5 : i32
      %dma_wait3A_534 = arith.constant 5 : i32
      %dma_wait3A_535 = arith.constant 0 : i32
      %dma_wait3A_536 = arith.constant 0 : i32
      %dma_wait3A_537 = tpu.memref_slice %arg6[%dma_wait3A_533, %dma_wait3A_535, %dma_wait3A_536] : memref<8x128x64xf32, #tpu.memory_space<vmem>> -> memref<1x128x64xf32, #tpu.memory_space<vmem>>
      %dma_wait3A_538 = tpu.memref_squeeze %dma_wait3A_537 : memref<1x128x64xf32, #tpu.memory_space<vmem>> -> memref<128x64xf32, #tpu.memory_space<vmem>>
      %dma_wait3A_539 = tpu.memref_slice %arg5[%mul3A_532] : memref<25600xi32, #tpu.memory_space<vmem>> -> memref<128xi32, #tpu.memory_space<vmem>>
      %dma_wait3A_540 = arith.constant 0 : i32
      %dma_wait3A_541 = arith.constant 0 : i32
      %dma_wait3A_542 = tpu.memref_slice %arg2[%dma_wait3A_540, %dma_wait3A_541] : memref<1000000x64xf32, #tpu.memory_space<hbm>> -> memref<1000000x64xf32, #tpu.memory_space<hbm>>
      %dma_wait3A_543 = tpu.memref_slice %arg7[%dma_wait3A_534] : memref<8x!tpu.dma_semaphore, #tpu.memory_space<semaphore_mem>> -> memref<1x!tpu.dma_semaphore, #tpu.memory_space<semaphore_mem>>
      %dma_wait3A_544 = tpu.memref_squeeze %dma_wait3A_543 : memref<1x!tpu.dma_semaphore, #tpu.memory_space<semaphore_mem>> -> memref<!tpu.dma_semaphore, #tpu.memory_space<semaphore_mem>>
      tpu.wait_indirect_dma semaphore(%dma_wait3A_544 : memref<!tpu.dma_semaphore, #tpu.memory_space<semaphore_mem>>) src(%dma_wait3A_542 : memref<1000000x64xf32, #tpu.memory_space<hbm>>) dst(%dma_wait3A_538 : memref<128x64xf32, #tpu.memory_space<vmem>>)
      %scan3A_545 = arith.constant 0 : i32
      %scan3A_546 = arith.constant 128 : i32
      %scan3A_547 = arith.addi %scan3A_545, %scan3A_546 : i32
      %scan3A_548 = arith.constant 1 : i32
      scf.for %scan3A_655 = %scan3A_545 to %scan3A_547 step %scan3A_548  : i32 {
        %mul3A_656 = arith.constant 1 : i32
        %mul3A_657 = arith.muli %scan3A_655, %mul3A_656 : i32
        %add3A_658 = arith.constant 0 : i32
        %add3A_659 = arith.addi %add3A_658, %mul3A_657 : i32
        %get3A = arith.constant 5 : i32
        %get3A_660 = arith.constant 0 : i32
        %get3A_661 = arith.constant 0 : i32
        %get3A_662 = tpu.memref_slice %arg6[%get3A, %get3A_660, %get3A_661] : memref<8x128x64xf32, #tpu.memory_space<vmem>> -> memref<1x128x64xf32, #tpu.memory_space<vmem>>
        %get3A_663 = tpu.memref_squeeze %get3A_662 : memref<1x128x64xf32, #tpu.memory_space<vmem>> -> memref<128x64xf32, #tpu.memory_space<vmem>>
        %get3A_664 = arith.index_cast %add3A_659 : i32 to index
        %get3A_665 = arith.constant 0 : index
        %get3A_666 = tpu.vector_load %get3A_663[%get3A_664, %get3A_665] {strides = array<i32>} : memref<128x64xf32, #tpu.memory_space<vmem>>, vector<1x16xf32>,
        %get3A_667 = vector.shape_cast %get3A_666 : vector<1x16xf32> to vector<1x16xf32>
        %mul3A_668 = arith.constant 8.000000e+00 : f32
        %mul3A_669 = vector.broadcast %mul3A_668 : f32 to vector<1x16xf32>
        %mul3A_670 = arith.mulf %get3A_667, %mul3A_669 : vector<1x16xf32>
        %swap3A = arith.constant 5 : i32
        %swap3A_671 = arith.constant 0 : i32
        %swap3A_672 = arith.constant 0 : i32
        %swap3A_673 = tpu.memref_slice %arg6[%swap3A, %swap3A_671, %swap3A_672] : memref<8x128x64xf32, #tpu.memory_space<vmem>> -> memref<1x128x64xf32, #tpu.memory_space<vmem>>
        %swap3A_674 = tpu.memref_squeeze %swap3A_673 : memref<1x128x64xf32, #tpu.memory_space<vmem>> -> memref<128x64xf32, #tpu.memory_space<vmem>>
        %swap3A_675 = arith.index_cast %add3A_659 : i32 to index
        %swap3A_676 = arith.constant 0 : index
        %swap3A_677 = tpu.vector_load %swap3A_674[%swap3A_675, %swap3A_676] {strides = array<i32>} : memref<128x64xf32, #tpu.memory_space<vmem>>, vector<1x16xf32>,
        %swap3A_678 = vector.shape_cast %swap3A_677 : vector<1x16xf32> to vector<1x16xf32>
        %swap3A_679 = vector.shape_cast %mul3A_670 : vector<1x16xf32> to vector<1x16xf32>
        tpu.vector_store %swap3A_674[%swap3A_675, %swap3A_676], %swap3A_679 {strides = array<i32>} : memref<128x64xf32, #tpu.memory_space<vmem>>, vector<1x16xf32>,
        %get3A_680 = arith.constant 5 : i32
        %get3A_681 = arith.constant 0 : i32
        %get3A_682 = arith.constant 0 : i32
        %get3A_683 = tpu.memref_slice %arg6[%get3A_680, %get3A_681, %get3A_682] : memref<8x128x64xf32, #tpu.memory_space<vmem>> -> memref<1x128x64xf32, #tpu.memory_space<vmem>>
        %get3A_684 = tpu.memref_squeeze %get3A_683 : memref<1x128x64xf32, #tpu.memory_space<vmem>> -> memref<128x64xf32, #tpu.memory_space<vmem>>
        %get3A_685 = arith.index_cast %add3A_659 : i32 to index
        %get3A_686 = arith.constant 16 : index
        %get3A_687 = tpu.vector_load %get3A_684[%get3A_685, %get3A_686] {strides = array<i32>} : memref<128x64xf32, #tpu.memory_space<vmem>>, vector<1x16xf32>,
        %get3A_688 = vector.shape_cast %get3A_687 : vector<1x16xf32> to vector<1x16xf32>
        %mul3A_689 = arith.constant 8.000000e+00 : f32
        %mul3A_690 = vector.broadcast %mul3A_689 : f32 to vector<1x16xf32>
        %mul3A_691 = arith.mulf %get3A_688, %mul3A_690 : vector<1x16xf32>
        %swap3A_692 = arith.constant 5 : i32
        %swap3A_693 = arith.constant 0 : i32
        %swap3A_694 = arith.constant 0 : i32
        %swap3A_695 = tpu.memref_slice %arg6[%swap3A_692, %swap3A_693, %swap3A_694] : memref<8x128x64xf32, #tpu.memory_space<vmem>> -> memref<1x128x64xf32, #tpu.memory_space<vmem>>
        %swap3A_696 = tpu.memref_squeeze %swap3A_695 : memref<1x128x64xf32, #tpu.memory_space<vmem>> -> memref<128x64xf32, #tpu.memory_space<vmem>>
        %swap3A_697 = arith.index_cast %add3A_659 : i32 to index
        %swap3A_698 = arith.constant 16 : index
        %swap3A_699 = tpu.vector_load %swap3A_696[%swap3A_697, %swap3A_698] {strides = array<i32>} : memref<128x64xf32, #tpu.memory_space<vmem>>, vector<1x16xf32>,
        %swap3A_700 = vector.shape_cast %swap3A_699 : vector<1x16xf32> to vector<1x16xf32>
        %swap3A_701 = vector.shape_cast %mul3A_691 : vector<1x16xf32> to vector<1x16xf32>
        tpu.vector_store %swap3A_696[%swap3A_697, %swap3A_698], %swap3A_701 {strides = array<i32>} : memref<128x64xf32, #tpu.memory_space<vmem>>, vector<1x16xf32>,
        %get3A_702 = arith.constant 5 : i32
        %get3A_703 = arith.constant 0 : i32
        %get3A_704 = arith.constant 0 : i32
        %get3A_705 = tpu.memref_slice %arg6[%get3A_702, %get3A_703, %get3A_704] : memref<8x128x64xf32, #tpu.memory_space<vmem>> -> memref<1x128x64xf32, #tpu.memory_space<vmem>>
        %get3A_706 = tpu.memref_squeeze %get3A_705 : memref<1x128x64xf32, #tpu.memory_space<vmem>> -> memref<128x64xf32, #tpu.memory_space<vmem>>
        %get3A_707 = arith.index_cast %add3A_659 : i32 to index
        %get3A_708 = arith.constant 32 : index
        %get3A_709 = tpu.vector_load %get3A_706[%get3A_707, %get3A_708] {strides = array<i32>} : memref<128x64xf32, #tpu.memory_space<vmem>>, vector<1x16xf32>,
        %get3A_710 = vector.shape_cast %get3A_709 : vector<1x16xf32> to vector<1x16xf32>
        %mul3A_711 = arith.constant 8.000000e+00 : f32
        %mul3A_712 = vector.broadcast %mul3A_711 : f32 to vector<1x16xf32>
        %mul3A_713 = arith.mulf %get3A_710, %mul3A_712 : vector<1x16xf32>
        %swap3A_714 = arith.constant 5 : i32
        %swap3A_715 = arith.constant 0 : i32
        %swap3A_716 = arith.constant 0 : i32
        %swap3A_717 = tpu.memref_slice %arg6[%swap3A_714, %swap3A_715, %swap3A_716] : memref<8x128x64xf32, #tpu.memory_space<vmem>> -> memref<1x128x64xf32, #tpu.memory_space<vmem>>
        %swap3A_718 = tpu.memref_squeeze %swap3A_717 : memref<1x128x64xf32, #tpu.memory_space<vmem>> -> memref<128x64xf32, #tpu.memory_space<vmem>>
        %swap3A_719 = arith.index_cast %add3A_659 : i32 to index
        %swap3A_720 = arith.constant 32 : index
        %swap3A_721 = tpu.vector_load %swap3A_718[%swap3A_719, %swap3A_720] {strides = array<i32>} : memref<128x64xf32, #tpu.memory_space<vmem>>, vector<1x16xf32>,
        %swap3A_722 = vector.shape_cast %swap3A_721 : vector<1x16xf32> to vector<1x16xf32>
        %swap3A_723 = vector.shape_cast %mul3A_713 : vector<1x16xf32> to vector<1x16xf32>
        tpu.vector_store %swap3A_718[%swap3A_719, %swap3A_720], %swap3A_723 {strides = array<i32>} : memref<128x64xf32, #tpu.memory_space<vmem>>, vector<1x16xf32>,
        %get3A_724 = arith.constant 5 : i32
        %get3A_725 = arith.constant 0 : i32
        %get3A_726 = arith.constant 0 : i32
        %get3A_727 = tpu.memref_slice %arg6[%get3A_724, %get3A_725, %get3A_726] : memref<8x128x64xf32, #tpu.memory_space<vmem>> -> memref<1x128x64xf32, #tpu.memory_space<vmem>>
        %get3A_728 = tpu.memref_squeeze %get3A_727 : memref<1x128x64xf32, #tpu.memory_space<vmem>> -> memref<128x64xf32, #tpu.memory_space<vmem>>
        %get3A_729 = arith.index_cast %add3A_659 : i32 to index
        %get3A_730 = arith.constant 48 : index
        %get3A_731 = tpu.vector_load %get3A_728[%get3A_729, %get3A_730] {strides = array<i32>} : memref<128x64xf32, #tpu.memory_space<vmem>>, vector<1x16xf32>,
        %get3A_732 = vector.shape_cast %get3A_731 : vector<1x16xf32> to vector<1x16xf32>
        %mul3A_733 = arith.constant 8.000000e+00 : f32
        %mul3A_734 = vector.broadcast %mul3A_733 : f32 to vector<1x16xf32>
        %mul3A_735 = arith.mulf %get3A_732, %mul3A_734 : vector<1x16xf32>
        %swap3A_736 = arith.constant 5 : i32
        %swap3A_737 = arith.constant 0 : i32
        %swap3A_738 = arith.constant 0 : i32
        %swap3A_739 = tpu.memref_slice %arg6[%swap3A_736, %swap3A_737, %swap3A_738] : memref<8x128x64xf32, #tpu.memory_space<vmem>> -> memref<1x128x64xf32, #tpu.memory_space<vmem>>
        %swap3A_740 = tpu.memref_squeeze %swap3A_739 : memref<1x128x64xf32, #tpu.memory_space<vmem>> -> memref<128x64xf32, #tpu.memory_space<vmem>>
        %swap3A_741 = arith.index_cast %add3A_659 : i32 to index
        %swap3A_742 = arith.constant 48 : index
        %swap3A_743 = tpu.vector_load %swap3A_740[%swap3A_741, %swap3A_742] {strides = array<i32>} : memref<128x64xf32, #tpu.memory_space<vmem>>, vector<1x16xf32>,
        %swap3A_744 = vector.shape_cast %swap3A_743 : vector<1x16xf32> to vector<1x16xf32>
        %swap3A_745 = vector.shape_cast %mul3A_735 : vector<1x16xf32> to vector<1x16xf32>
        tpu.vector_store %swap3A_740[%swap3A_741, %swap3A_742], %swap3A_745 {strides = array<i32>} : memref<128x64xf32, #tpu.memory_space<vmem>>, vector<1x16xf32>,
      }
      %scan3A_549 = arith.constant 128 : i32
      %add3A_550 = arith.constant 5 : i32
      %add3A_551 = arith.addi %add3A_154, %add3A_550 : i32
      %mul3A_552 = arith.constant 128 : i32
      %mul3A_553 = arith.muli %add3A_551, %mul3A_552 : i32
      %add3A_554 = arith.addi %mul3A_2, %mul3A_553 : i32
      %dma_start3A_555 = arith.constant 5 : i32
      %dma_start3A_556 = arith.constant 5 : i32
      %dma_start3A_557 = arith.constant 0 : i32
      %dma_start3A_558 = arith.constant 0 : i32
      %dma_start3A_559 = tpu.memref_slice %arg6[%dma_start3A_555, %dma_start3A_557, %dma_start3A_558] : memref<8x128x64xf32, #tpu.memory_space<vmem>> -> memref<1x128x64xf32, #tpu.memory_space<vmem>>
      %dma_start3A_560 = tpu.memref_squeeze %dma_start3A_559 : memref<1x128x64xf32, #tpu.memory_space<vmem>> -> memref<128x64xf32, #tpu.memory_space<vmem>>
      %dma_start3A_561 = arith.constant 0 : i32
      %dma_start3A_562 = tpu.memref_slice %arg4[%add3A_554, %dma_start3A_561] : memref<819200x64xf32, #tpu.memory_space<hbm>> -> memref<128x64xf32, #tpu.memory_space<hbm>>
      %dma_start3A_563 = tpu.memref_slice %arg8[%dma_start3A_556] : memref<8x!tpu.dma_semaphore, #tpu.memory_space<semaphore_mem>> -> memref<1x!tpu.dma_semaphore, #tpu.memory_space<semaphore_mem>>
      %dma_start3A_564 = tpu.memref_squeeze %dma_start3A_563 : memref<1x!tpu.dma_semaphore, #tpu.memory_space<semaphore_mem>> -> memref<!tpu.dma_semaphore, #tpu.memory_space<semaphore_mem>>
      %dma_start3A_565 = arith.constant 0 : i32
      %dma_start3A_566 = tpu.memref_slice %arg4[%add3A_554, %dma_start3A_565] : memref<819200x64xf32, #tpu.memory_space<hbm>> -> memref<128x64xf32, #tpu.memory_space<hbm>>
      %dma_start3A_567 = arith.constant 0 : i32
      %dma_start3A_568 = arith.constant 0 : i32
      %dma_start3A_569 = tpu.memref_slice %arg6[%dma_start3A_555, %dma_start3A_567, %dma_start3A_568] : memref<8x128x64xf32, #tpu.memory_space<vmem>> -> memref<1x128x64xf32, #tpu.memory_space<vmem>>
      %dma_start3A_570 = tpu.memref_squeeze %dma_start3A_569 : memref<1x128x64xf32, #tpu.memory_space<vmem>> -> memref<128x64xf32, #tpu.memory_space<vmem>>
      tpu.enqueue_dma source(%dma_start3A_570 : memref<128x64xf32, #tpu.memory_space<vmem>>) target(%dma_start3A_566 : memref<128x64xf32, #tpu.memory_space<hbm>>) target_semaphore(%dma_start3A_564 : memref<!tpu.dma_semaphore, #tpu.memory_space<semaphore_mem>>)
      %add3A_571 = arith.constant 6 : i32
      %add3A_572 = arith.addi %add3A_154, %add3A_571 : i32
      %mul3A_573 = arith.constant 128 : i32
      %mul3A_574 = arith.muli %add3A_572, %mul3A_573 : i32
      %dma_wait3A_575 = arith.constant 6 : i32
      %dma_wait3A_576 = arith.constant 6 : i32
      %dma_wait3A_577 = arith.constant 0 : i32
      %dma_wait3A_578 = arith.constant 0 : i32
      %dma_wait3A_579 = tpu.memref_slice %arg6[%dma_wait3A_575, %dma_wait3A_577, %dma_wait3A_578] : memref<8x128x64xf32, #tpu.memory_space<vmem>> -> memref<1x128x64xf32, #tpu.memory_space<vmem>>
      %dma_wait3A_580 = tpu.memref_squeeze %dma_wait3A_579 : memref<1x128x64xf32, #tpu.memory_space<vmem>> -> memref<128x64xf32, #tpu.memory_space<vmem>>
      %dma_wait3A_581 = tpu.memref_slice %arg5[%mul3A_574] : memref<25600xi32, #tpu.memory_space<vmem>> -> memref<128xi32, #tpu.memory_space<vmem>>
      %dma_wait3A_582 = arith.constant 0 : i32
      %dma_wait3A_583 = arith.constant 0 : i32
      %dma_wait3A_584 = tpu.memref_slice %arg2[%dma_wait3A_582, %dma_wait3A_583] : memref<1000000x64xf32, #tpu.memory_space<hbm>> -> memref<1000000x64xf32, #tpu.memory_space<hbm>>
      %dma_wait3A_585 = tpu.memref_slice %arg7[%dma_wait3A_576] : memref<8x!tpu.dma_semaphore, #tpu.memory_space<semaphore_mem>> -> memref<1x!tpu.dma_semaphore, #tpu.memory_space<semaphore_mem>>
      %dma_wait3A_586 = tpu.memref_squeeze %dma_wait3A_585 : memref<1x!tpu.dma_semaphore, #tpu.memory_space<semaphore_mem>> -> memref<!tpu.dma_semaphore, #tpu.memory_space<semaphore_mem>>
      tpu.wait_indirect_dma semaphore(%dma_wait3A_586 : memref<!tpu.dma_semaphore, #tpu.memory_space<semaphore_mem>>) src(%dma_wait3A_584 : memref<1000000x64xf32, #tpu.memory_space<hbm>>) dst(%dma_wait3A_580 : memref<128x64xf32, #tpu.memory_space<vmem>>)
      %scan3A_587 = arith.constant 0 : i32
      %scan3A_588 = arith.constant 128 : i32
      %scan3A_589 = arith.addi %scan3A_587, %scan3A_588 : i32
      %scan3A_590 = arith.constant 1 : i32
      scf.for %scan3A_655 = %scan3A_587 to %scan3A_589 step %scan3A_590  : i32 {
        %mul3A_656 = arith.constant 1 : i32
        %mul3A_657 = arith.muli %scan3A_655, %mul3A_656 : i32
        %add3A_658 = arith.constant 0 : i32
        %add3A_659 = arith.addi %add3A_658, %mul3A_657 : i32
        %get3A = arith.constant 6 : i32
        %get3A_660 = arith.constant 0 : i32
        %get3A_661 = arith.constant 0 : i32
        %get3A_662 = tpu.memref_slice %arg6[%get3A, %get3A_660, %get3A_661] : memref<8x128x64xf32, #tpu.memory_space<vmem>> -> memref<1x128x64xf32, #tpu.memory_space<vmem>>
        %get3A_663 = tpu.memref_squeeze %get3A_662 : memref<1x128x64xf32, #tpu.memory_space<vmem>> -> memref<128x64xf32, #tpu.memory_space<vmem>>
        %get3A_664 = arith.index_cast %add3A_659 : i32 to index
        %get3A_665 = arith.constant 0 : index
        %get3A_666 = tpu.vector_load %get3A_663[%get3A_664, %get3A_665] {strides = array<i32>} : memref<128x64xf32, #tpu.memory_space<vmem>>, vector<1x16xf32>,
        %get3A_667 = vector.shape_cast %get3A_666 : vector<1x16xf32> to vector<1x16xf32>
        %mul3A_668 = arith.constant 8.000000e+00 : f32
        %mul3A_669 = vector.broadcast %mul3A_668 : f32 to vector<1x16xf32>
        %mul3A_670 = arith.mulf %get3A_667, %mul3A_669 : vector<1x16xf32>
        %swap3A = arith.constant 6 : i32
        %swap3A_671 = arith.constant 0 : i32
        %swap3A_672 = arith.constant 0 : i32
        %swap3A_673 = tpu.memref_slice %arg6[%swap3A, %swap3A_671, %swap3A_672] : memref<8x128x64xf32, #tpu.memory_space<vmem>> -> memref<1x128x64xf32, #tpu.memory_space<vmem>>
        %swap3A_674 = tpu.memref_squeeze %swap3A_673 : memref<1x128x64xf32, #tpu.memory_space<vmem>> -> memref<128x64xf32, #tpu.memory_space<vmem>>
        %swap3A_675 = arith.index_cast %add3A_659 : i32 to index
        %swap3A_676 = arith.constant 0 : index
        %swap3A_677 = tpu.vector_load %swap3A_674[%swap3A_675, %swap3A_676] {strides = array<i32>} : memref<128x64xf32, #tpu.memory_space<vmem>>, vector<1x16xf32>,
        %swap3A_678 = vector.shape_cast %swap3A_677 : vector<1x16xf32> to vector<1x16xf32>
        %swap3A_679 = vector.shape_cast %mul3A_670 : vector<1x16xf32> to vector<1x16xf32>
        tpu.vector_store %swap3A_674[%swap3A_675, %swap3A_676], %swap3A_679 {strides = array<i32>} : memref<128x64xf32, #tpu.memory_space<vmem>>, vector<1x16xf32>,
        %get3A_680 = arith.constant 6 : i32
        %get3A_681 = arith.constant 0 : i32
        %get3A_682 = arith.constant 0 : i32
        %get3A_683 = tpu.memref_slice %arg6[%get3A_680, %get3A_681, %get3A_682] : memref<8x128x64xf32, #tpu.memory_space<vmem>> -> memref<1x128x64xf32, #tpu.memory_space<vmem>>
        %get3A_684 = tpu.memref_squeeze %get3A_683 : memref<1x128x64xf32, #tpu.memory_space<vmem>> -> memref<128x64xf32, #tpu.memory_space<vmem>>
        %get3A_685 = arith.index_cast %add3A_659 : i32 to index
        %get3A_686 = arith.constant 16 : index
        %get3A_687 = tpu.vector_load %get3A_684[%get3A_685, %get3A_686] {strides = array<i32>} : memref<128x64xf32, #tpu.memory_space<vmem>>, vector<1x16xf32>,
        %get3A_688 = vector.shape_cast %get3A_687 : vector<1x16xf32> to vector<1x16xf32>
        %mul3A_689 = arith.constant 8.000000e+00 : f32
        %mul3A_690 = vector.broadcast %mul3A_689 : f32 to vector<1x16xf32>
        %mul3A_691 = arith.mulf %get3A_688, %mul3A_690 : vector<1x16xf32>
        %swap3A_692 = arith.constant 6 : i32
        %swap3A_693 = arith.constant 0 : i32
        %swap3A_694 = arith.constant 0 : i32
        %swap3A_695 = tpu.memref_slice %arg6[%swap3A_692, %swap3A_693, %swap3A_694] : memref<8x128x64xf32, #tpu.memory_space<vmem>> -> memref<1x128x64xf32, #tpu.memory_space<vmem>>
        %swap3A_696 = tpu.memref_squeeze %swap3A_695 : memref<1x128x64xf32, #tpu.memory_space<vmem>> -> memref<128x64xf32, #tpu.memory_space<vmem>>
        %swap3A_697 = arith.index_cast %add3A_659 : i32 to index
        %swap3A_698 = arith.constant 16 : index
        %swap3A_699 = tpu.vector_load %swap3A_696[%swap3A_697, %swap3A_698] {strides = array<i32>} : memref<128x64xf32, #tpu.memory_space<vmem>>, vector<1x16xf32>,
        %swap3A_700 = vector.shape_cast %swap3A_699 : vector<1x16xf32> to vector<1x16xf32>
        %swap3A_701 = vector.shape_cast %mul3A_691 : vector<1x16xf32> to vector<1x16xf32>
        tpu.vector_store %swap3A_696[%swap3A_697, %swap3A_698], %swap3A_701 {strides = array<i32>} : memref<128x64xf32, #tpu.memory_space<vmem>>, vector<1x16xf32>,
        %get3A_702 = arith.constant 6 : i32
        %get3A_703 = arith.constant 0 : i32
        %get3A_704 = arith.constant 0 : i32
        %get3A_705 = tpu.memref_slice %arg6[%get3A_702, %get3A_703, %get3A_704] : memref<8x128x64xf32, #tpu.memory_space<vmem>> -> memref<1x128x64xf32, #tpu.memory_space<vmem>>
        %get3A_706 = tpu.memref_squeeze %get3A_705 : memref<1x128x64xf32, #tpu.memory_space<vmem>> -> memref<128x64xf32, #tpu.memory_space<vmem>>
        %get3A_707 = arith.index_cast %add3A_659 : i32 to index
        %get3A_708 = arith.constant 32 : index
        %get3A_709 = tpu.vector_load %get3A_706[%get3A_707, %get3A_708] {strides = array<i32>} : memref<128x64xf32, #tpu.memory_space<vmem>>, vector<1x16xf32>,
        %get3A_710 = vector.shape_cast %get3A_709 : vector<1x16xf32> to vector<1x16xf32>
        %mul3A_711 = arith.constant 8.000000e+00 : f32
        %mul3A_712 = vector.broadcast %mul3A_711 : f32 to vector<1x16xf32>
        %mul3A_713 = arith.mulf %get3A_710, %mul3A_712 : vector<1x16xf32>
        %swap3A_714 = arith.constant 6 : i32
        %swap3A_715 = arith.constant 0 : i32
        %swap3A_716 = arith.constant 0 : i32
        %swap3A_717 = tpu.memref_slice %arg6[%swap3A_714, %swap3A_715, %swap3A_716] : memref<8x128x64xf32, #tpu.memory_space<vmem>> -> memref<1x128x64xf32, #tpu.memory_space<vmem>>
        %swap3A_718 = tpu.memref_squeeze %swap3A_717 : memref<1x128x64xf32, #tpu.memory_space<vmem>> -> memref<128x64xf32, #tpu.memory_space<vmem>>
        %swap3A_719 = arith.index_cast %add3A_659 : i32 to index
        %swap3A_720 = arith.constant 32 : index
        %swap3A_721 = tpu.vector_load %swap3A_718[%swap3A_719, %swap3A_720] {strides = array<i32>} : memref<128x64xf32, #tpu.memory_space<vmem>>, vector<1x16xf32>,
        %swap3A_722 = vector.shape_cast %swap3A_721 : vector<1x16xf32> to vector<1x16xf32>
        %swap3A_723 = vector.shape_cast %mul3A_713 : vector<1x16xf32> to vector<1x16xf32>
        tpu.vector_store %swap3A_718[%swap3A_719, %swap3A_720], %swap3A_723 {strides = array<i32>} : memref<128x64xf32, #tpu.memory_space<vmem>>, vector<1x16xf32>,
        %get3A_724 = arith.constant 6 : i32
        %get3A_725 = arith.constant 0 : i32
        %get3A_726 = arith.constant 0 : i32
        %get3A_727 = tpu.memref_slice %arg6[%get3A_724, %get3A_725, %get3A_726] : memref<8x128x64xf32, #tpu.memory_space<vmem>> -> memref<1x128x64xf32, #tpu.memory_space<vmem>>
        %get3A_728 = tpu.memref_squeeze %get3A_727 : memref<1x128x64xf32, #tpu.memory_space<vmem>> -> memref<128x64xf32, #tpu.memory_space<vmem>>
        %get3A_729 = arith.index_cast %add3A_659 : i32 to index
        %get3A_730 = arith.constant 48 : index
        %get3A_731 = tpu.vector_load %get3A_728[%get3A_729, %get3A_730] {strides = array<i32>} : memref<128x64xf32, #tpu.memory_space<vmem>>, vector<1x16xf32>,
        %get3A_732 = vector.shape_cast %get3A_731 : vector<1x16xf32> to vector<1x16xf32>
        %mul3A_733 = arith.constant 8.000000e+00 : f32
        %mul3A_734 = vector.broadcast %mul3A_733 : f32 to vector<1x16xf32>
        %mul3A_735 = arith.mulf %get3A_732, %mul3A_734 : vector<1x16xf32>
        %swap3A_736 = arith.constant 6 : i32
        %swap3A_737 = arith.constant 0 : i32
        %swap3A_738 = arith.constant 0 : i32
        %swap3A_739 = tpu.memref_slice %arg6[%swap3A_736, %swap3A_737, %swap3A_738] : memref<8x128x64xf32, #tpu.memory_space<vmem>> -> memref<1x128x64xf32, #tpu.memory_space<vmem>>
        %swap3A_740 = tpu.memref_squeeze %swap3A_739 : memref<1x128x64xf32, #tpu.memory_space<vmem>> -> memref<128x64xf32, #tpu.memory_space<vmem>>
        %swap3A_741 = arith.index_cast %add3A_659 : i32 to index
        %swap3A_742 = arith.constant 48 : index
        %swap3A_743 = tpu.vector_load %swap3A_740[%swap3A_741, %swap3A_742] {strides = array<i32>} : memref<128x64xf32, #tpu.memory_space<vmem>>, vector<1x16xf32>,
        %swap3A_744 = vector.shape_cast %swap3A_743 : vector<1x16xf32> to vector<1x16xf32>
        %swap3A_745 = vector.shape_cast %mul3A_735 : vector<1x16xf32> to vector<1x16xf32>
        tpu.vector_store %swap3A_740[%swap3A_741, %swap3A_742], %swap3A_745 {strides = array<i32>} : memref<128x64xf32, #tpu.memory_space<vmem>>, vector<1x16xf32>,
      }
      %scan3A_591 = arith.constant 128 : i32
      %add3A_592 = arith.constant 6 : i32
      %add3A_593 = arith.addi %add3A_154, %add3A_592 : i32
      %mul3A_594 = arith.constant 128 : i32
      %mul3A_595 = arith.muli %add3A_593, %mul3A_594 : i32
      %add3A_596 = arith.addi %mul3A_2, %mul3A_595 : i32
      %dma_start3A_597 = arith.constant 6 : i32
      %dma_start3A_598 = arith.constant 6 : i32
      %dma_start3A_599 = arith.constant 0 : i32
      %dma_start3A_600 = arith.constant 0 : i32
      %dma_start3A_601 = tpu.memref_slice %arg6[%dma_start3A_597, %dma_start3A_599, %dma_start3A_600] : memref<8x128x64xf32, #tpu.memory_space<vmem>> -> memref<1x128x64xf32, #tpu.memory_space<vmem>>
      %dma_start3A_602 = tpu.memref_squeeze %dma_start3A_601 : memref<1x128x64xf32, #tpu.memory_space<vmem>> -> memref<128x64xf32, #tpu.memory_space<vmem>>
      %dma_start3A_603 = arith.constant 0 : i32
      %dma_start3A_604 = tpu.memref_slice %arg4[%add3A_596, %dma_start3A_603] : memref<819200x64xf32, #tpu.memory_space<hbm>> -> memref<128x64xf32, #tpu.memory_space<hbm>>
      %dma_start3A_605 = tpu.memref_slice %arg8[%dma_start3A_598] : memref<8x!tpu.dma_semaphore, #tpu.memory_space<semaphore_mem>> -> memref<1x!tpu.dma_semaphore, #tpu.memory_space<semaphore_mem>>
      %dma_start3A_606 = tpu.memref_squeeze %dma_start3A_605 : memref<1x!tpu.dma_semaphore, #tpu.memory_space<semaphore_mem>> -> memref<!tpu.dma_semaphore, #tpu.memory_space<semaphore_mem>>
      %dma_start3A_607 = arith.constant 0 : i32
      %dma_start3A_608 = tpu.memref_slice %arg4[%add3A_596, %dma_start3A_607] : memref<819200x64xf32, #tpu.memory_space<hbm>> -> memref<128x64xf32, #tpu.memory_space<hbm>>
      %dma_start3A_609 = arith.constant 0 : i32
      %dma_start3A_610 = arith.constant 0 : i32
      %dma_start3A_611 = tpu.memref_slice %arg6[%dma_start3A_597, %dma_start3A_609, %dma_start3A_610] : memref<8x128x64xf32, #tpu.memory_space<vmem>> -> memref<1x128x64xf32, #tpu.memory_space<vmem>>
      %dma_start3A_612 = tpu.memref_squeeze %dma_start3A_611 : memref<1x128x64xf32, #tpu.memory_space<vmem>> -> memref<128x64xf32, #tpu.memory_space<vmem>>
      tpu.enqueue_dma source(%dma_start3A_612 : memref<128x64xf32, #tpu.memory_space<vmem>>) target(%dma_start3A_608 : memref<128x64xf32, #tpu.memory_space<hbm>>) target_semaphore(%dma_start3A_606 : memref<!tpu.dma_semaphore, #tpu.memory_space<semaphore_mem>>)
      %add3A_613 = arith.constant 7 : i32
      %add3A_614 = arith.addi %add3A_154, %add3A_613 : i32
      %mul3A_615 = arith.constant 128 : i32
      %mul3A_616 = arith.muli %add3A_614, %mul3A_615 : i32
      %dma_wait3A_617 = arith.constant 7 : i32
      %dma_wait3A_618 = arith.constant 7 : i32
      %dma_wait3A_619 = arith.constant 0 : i32
      %dma_wait3A_620 = arith.constant 0 : i32
      %dma_wait3A_621 = tpu.memref_slice %arg6[%dma_wait3A_617, %dma_wait3A_619, %dma_wait3A_620] : memref<8x128x64xf32, #tpu.memory_space<vmem>> -> memref<1x128x64xf32, #tpu.memory_space<vmem>>
      %dma_wait3A_622 = tpu.memref_squeeze %dma_wait3A_621 : memref<1x128x64xf32, #tpu.memory_space<vmem>> -> memref<128x64xf32, #tpu.memory_space<vmem>>
      %dma_wait3A_623 = tpu.memref_slice %arg5[%mul3A_616] : memref<25600xi32, #tpu.memory_space<vmem>> -> memref<128xi32, #tpu.memory_space<vmem>>
      %dma_wait3A_624 = arith.constant 0 : i32
      %dma_wait3A_625 = arith.constant 0 : i32
      %dma_wait3A_626 = tpu.memref_slice %arg2[%dma_wait3A_624, %dma_wait3A_625] : memref<1000000x64xf32, #tpu.memory_space<hbm>> -> memref<1000000x64xf32, #tpu.memory_space<hbm>>
      %dma_wait3A_627 = tpu.memref_slice %arg7[%dma_wait3A_618] : memref<8x!tpu.dma_semaphore, #tpu.memory_space<semaphore_mem>> -> memref<1x!tpu.dma_semaphore, #tpu.memory_space<semaphore_mem>>
      %dma_wait3A_628 = tpu.memref_squeeze %dma_wait3A_627 : memref<1x!tpu.dma_semaphore, #tpu.memory_space<semaphore_mem>> -> memref<!tpu.dma_semaphore, #tpu.memory_space<semaphore_mem>>
      tpu.wait_indirect_dma semaphore(%dma_wait3A_628 : memref<!tpu.dma_semaphore, #tpu.memory_space<semaphore_mem>>) src(%dma_wait3A_626 : memref<1000000x64xf32, #tpu.memory_space<hbm>>) dst(%dma_wait3A_622 : memref<128x64xf32, #tpu.memory_space<vmem>>)
      %scan3A_629 = arith.constant 0 : i32
      %scan3A_630 = arith.constant 128 : i32
      %scan3A_631 = arith.addi %scan3A_629, %scan3A_630 : i32
      %scan3A_632 = arith.constant 1 : i32
      scf.for %scan3A_655 = %scan3A_629 to %scan3A_631 step %scan3A_632  : i32 {
        %mul3A_656 = arith.constant 1 : i32
        %mul3A_657 = arith.muli %scan3A_655, %mul3A_656 : i32
        %add3A_658 = arith.constant 0 : i32
        %add3A_659 = arith.addi %add3A_658, %mul3A_657 : i32
        %get3A = arith.constant 7 : i32
        %get3A_660 = arith.constant 0 : i32
        %get3A_661 = arith.constant 0 : i32
        %get3A_662 = tpu.memref_slice %arg6[%get3A, %get3A_660, %get3A_661] : memref<8x128x64xf32, #tpu.memory_space<vmem>> -> memref<1x128x64xf32, #tpu.memory_space<vmem>>
        %get3A_663 = tpu.memref_squeeze %get3A_662 : memref<1x128x64xf32, #tpu.memory_space<vmem>> -> memref<128x64xf32, #tpu.memory_space<vmem>>
        %get3A_664 = arith.index_cast %add3A_659 : i32 to index
        %get3A_665 = arith.constant 0 : index
        %get3A_666 = tpu.vector_load %get3A_663[%get3A_664, %get3A_665] {strides = array<i32>} : memref<128x64xf32, #tpu.memory_space<vmem>>, vector<1x16xf32>,
        %get3A_667 = vector.shape_cast %get3A_666 : vector<1x16xf32> to vector<1x16xf32>
        %mul3A_668 = arith.constant 8.000000e+00 : f32
        %mul3A_669 = vector.broadcast %mul3A_668 : f32 to vector<1x16xf32>
        %mul3A_670 = arith.mulf %get3A_667, %mul3A_669 : vector<1x16xf32>
        %swap3A = arith.constant 7 : i32
        %swap3A_671 = arith.constant 0 : i32
        %swap3A_672 = arith.constant 0 : i32
        %swap3A_673 = tpu.memref_slice %arg6[%swap3A, %swap3A_671, %swap3A_672] : memref<8x128x64xf32, #tpu.memory_space<vmem>> -> memref<1x128x64xf32, #tpu.memory_space<vmem>>
        %swap3A_674 = tpu.memref_squeeze %swap3A_673 : memref<1x128x64xf32, #tpu.memory_space<vmem>> -> memref<128x64xf32, #tpu.memory_space<vmem>>
        %swap3A_675 = arith.index_cast %add3A_659 : i32 to index
        %swap3A_676 = arith.constant 0 : index
        %swap3A_677 = tpu.vector_load %swap3A_674[%swap3A_675, %swap3A_676] {strides = array<i32>} : memref<128x64xf32, #tpu.memory_space<vmem>>, vector<1x16xf32>,
        %swap3A_678 = vector.shape_cast %swap3A_677 : vector<1x16xf32> to vector<1x16xf32>
        %swap3A_679 = vector.shape_cast %mul3A_670 : vector<1x16xf32> to vector<1x16xf32>
        tpu.vector_store %swap3A_674[%swap3A_675, %swap3A_676], %swap3A_679 {strides = array<i32>} : memref<128x64xf32, #tpu.memory_space<vmem>>, vector<1x16xf32>,
        %get3A_680 = arith.constant 7 : i32
        %get3A_681 = arith.constant 0 : i32
        %get3A_682 = arith.constant 0 : i32
        %get3A_683 = tpu.memref_slice %arg6[%get3A_680, %get3A_681, %get3A_682] : memref<8x128x64xf32, #tpu.memory_space<vmem>> -> memref<1x128x64xf32, #tpu.memory_space<vmem>>
        %get3A_684 = tpu.memref_squeeze %get3A_683 : memref<1x128x64xf32, #tpu.memory_space<vmem>> -> memref<128x64xf32, #tpu.memory_space<vmem>>
        %get3A_685 = arith.index_cast %add3A_659 : i32 to index
        %get3A_686 = arith.constant 16 : index
        %get3A_687 = tpu.vector_load %get3A_684[%get3A_685, %get3A_686] {strides = array<i32>} : memref<128x64xf32, #tpu.memory_space<vmem>>, vector<1x16xf32>,
        %get3A_688 = vector.shape_cast %get3A_687 : vector<1x16xf32> to vector<1x16xf32>
        %mul3A_689 = arith.constant 8.000000e+00 : f32
        %mul3A_690 = vector.broadcast %mul3A_689 : f32 to vector<1x16xf32>
        %mul3A_691 = arith.mulf %get3A_688, %mul3A_690 : vector<1x16xf32>
        %swap3A_692 = arith.constant 7 : i32
        %swap3A_693 = arith.constant 0 : i32
        %swap3A_694 = arith.constant 0 : i32
        %swap3A_695 = tpu.memref_slice %arg6[%swap3A_692, %swap3A_693, %swap3A_694] : memref<8x128x64xf32, #tpu.memory_space<vmem>> -> memref<1x128x64xf32, #tpu.memory_space<vmem>>
        %swap3A_696 = tpu.memref_squeeze %swap3A_695 : memref<1x128x64xf32, #tpu.memory_space<vmem>> -> memref<128x64xf32, #tpu.memory_space<vmem>>
        %swap3A_697 = arith.index_cast %add3A_659 : i32 to index
        %swap3A_698 = arith.constant 16 : index
        %swap3A_699 = tpu.vector_load %swap3A_696[%swap3A_697, %swap3A_698] {strides = array<i32>} : memref<128x64xf32, #tpu.memory_space<vmem>>, vector<1x16xf32>,
        %swap3A_700 = vector.shape_cast %swap3A_699 : vector<1x16xf32> to vector<1x16xf32>
        %swap3A_701 = vector.shape_cast %mul3A_691 : vector<1x16xf32> to vector<1x16xf32>
        tpu.vector_store %swap3A_696[%swap3A_697, %swap3A_698], %swap3A_701 {strides = array<i32>} : memref<128x64xf32, #tpu.memory_space<vmem>>, vector<1x16xf32>,
        %get3A_702 = arith.constant 7 : i32
        %get3A_703 = arith.constant 0 : i32
        %get3A_704 = arith.constant 0 : i32
        %get3A_705 = tpu.memref_slice %arg6[%get3A_702, %get3A_703, %get3A_704] : memref<8x128x64xf32, #tpu.memory_space<vmem>> -> memref<1x128x64xf32, #tpu.memory_space<vmem>>
        %get3A_706 = tpu.memref_squeeze %get3A_705 : memref<1x128x64xf32, #tpu.memory_space<vmem>> -> memref<128x64xf32, #tpu.memory_space<vmem>>
        %get3A_707 = arith.index_cast %add3A_659 : i32 to index
        %get3A_708 = arith.constant 32 : index
        %get3A_709 = tpu.vector_load %get3A_706[%get3A_707, %get3A_708] {strides = array<i32>} : memref<128x64xf32, #tpu.memory_space<vmem>>, vector<1x16xf32>,
        %get3A_710 = vector.shape_cast %get3A_709 : vector<1x16xf32> to vector<1x16xf32>
        %mul3A_711 = arith.constant 8.000000e+00 : f32
        %mul3A_712 = vector.broadcast %mul3A_711 : f32 to vector<1x16xf32>
        %mul3A_713 = arith.mulf %get3A_710, %mul3A_712 : vector<1x16xf32>
        %swap3A_714 = arith.constant 7 : i32
        %swap3A_715 = arith.constant 0 : i32
        %swap3A_716 = arith.constant 0 : i32
        %swap3A_717 = tpu.memref_slice %arg6[%swap3A_714, %swap3A_715, %swap3A_716] : memref<8x128x64xf32, #tpu.memory_space<vmem>> -> memref<1x128x64xf32, #tpu.memory_space<vmem>>
        %swap3A_718 = tpu.memref_squeeze %swap3A_717 : memref<1x128x64xf32, #tpu.memory_space<vmem>> -> memref<128x64xf32, #tpu.memory_space<vmem>>
        %swap3A_719 = arith.index_cast %add3A_659 : i32 to index
        %swap3A_720 = arith.constant 32 : index
        %swap3A_721 = tpu.vector_load %swap3A_718[%swap3A_719, %swap3A_720] {strides = array<i32>} : memref<128x64xf32, #tpu.memory_space<vmem>>, vector<1x16xf32>,
        %swap3A_722 = vector.shape_cast %swap3A_721 : vector<1x16xf32> to vector<1x16xf32>
        %swap3A_723 = vector.shape_cast %mul3A_713 : vector<1x16xf32> to vector<1x16xf32>
        tpu.vector_store %swap3A_718[%swap3A_719, %swap3A_720], %swap3A_723 {strides = array<i32>} : memref<128x64xf32, #tpu.memory_space<vmem>>, vector<1x16xf32>,
        %get3A_724 = arith.constant 7 : i32
        %get3A_725 = arith.constant 0 : i32
        %get3A_726 = arith.constant 0 : i32
        %get3A_727 = tpu.memref_slice %arg6[%get3A_724, %get3A_725, %get3A_726] : memref<8x128x64xf32, #tpu.memory_space<vmem>> -> memref<1x128x64xf32, #tpu.memory_space<vmem>>
        %get3A_728 = tpu.memref_squeeze %get3A_727 : memref<1x128x64xf32, #tpu.memory_space<vmem>> -> memref<128x64xf32, #tpu.memory_space<vmem>>
        %get3A_729 = arith.index_cast %add3A_659 : i32 to index
        %get3A_730 = arith.constant 48 : index
        %get3A_731 = tpu.vector_load %get3A_728[%get3A_729, %get3A_730] {strides = array<i32>} : memref<128x64xf32, #tpu.memory_space<vmem>>, vector<1x16xf32>,
        %get3A_732 = vector.shape_cast %get3A_731 : vector<1x16xf32> to vector<1x16xf32>
        %mul3A_733 = arith.constant 8.000000e+00 : f32
        %mul3A_734 = vector.broadcast %mul3A_733 : f32 to vector<1x16xf32>
        %mul3A_735 = arith.mulf %get3A_732, %mul3A_734 : vector<1x16xf32>
        %swap3A_736 = arith.constant 7 : i32
        %swap3A_737 = arith.constant 0 : i32
        %swap3A_738 = arith.constant 0 : i32
        %swap3A_739 = tpu.memref_slice %arg6[%swap3A_736, %swap3A_737, %swap3A_738] : memref<8x128x64xf32, #tpu.memory_space<vmem>> -> memref<1x128x64xf32, #tpu.memory_space<vmem>>
        %swap3A_740 = tpu.memref_squeeze %swap3A_739 : memref<1x128x64xf32, #tpu.memory_space<vmem>> -> memref<128x64xf32, #tpu.memory_space<vmem>>
        %swap3A_741 = arith.index_cast %add3A_659 : i32 to index
        %swap3A_742 = arith.constant 48 : index
        %swap3A_743 = tpu.vector_load %swap3A_740[%swap3A_741, %swap3A_742] {strides = array<i32>} : memref<128x64xf32, #tpu.memory_space<vmem>>, vector<1x16xf32>,
        %swap3A_744 = vector.shape_cast %swap3A_743 : vector<1x16xf32> to vector<1x16xf32>
        %swap3A_745 = vector.shape_cast %mul3A_735 : vector<1x16xf32> to vector<1x16xf32>
        tpu.vector_store %swap3A_740[%swap3A_741, %swap3A_742], %swap3A_745 {strides = array<i32>} : memref<128x64xf32, #tpu.memory_space<vmem>>, vector<1x16xf32>,
      }
      %scan3A_633 = arith.constant 128 : i32
      %add3A_634 = arith.constant 7 : i32
      %add3A_635 = arith.addi %add3A_154, %add3A_634 : i32
      %mul3A_636 = arith.constant 128 : i32
      %mul3A_637 = arith.muli %add3A_635, %mul3A_636 : i32
      %add3A_638 = arith.addi %mul3A_2, %mul3A_637 : i32
      %dma_start3A_639 = arith.constant 7 : i32
      %dma_start3A_640 = arith.constant 7 : i32
      %dma_start3A_641 = arith.constant 0 : i32
      %dma_start3A_642 = arith.constant 0 : i32
      %dma_start3A_643 = tpu.memref_slice %arg6[%dma_start3A_639, %dma_start3A_641, %dma_start3A_642] : memref<8x128x64xf32, #tpu.memory_space<vmem>> -> memref<1x128x64xf32, #tpu.memory_space<vmem>>
      %dma_start3A_644 = tpu.memref_squeeze %dma_start3A_643 : memref<1x128x64xf32, #tpu.memory_space<vmem>> -> memref<128x64xf32, #tpu.memory_space<vmem>>
      %dma_start3A_645 = arith.constant 0 : i32
      %dma_start3A_646 = tpu.memref_slice %arg4[%add3A_638, %dma_start3A_645] : memref<819200x64xf32, #tpu.memory_space<hbm>> -> memref<128x64xf32, #tpu.memory_space<hbm>>
      %dma_start3A_647 = tpu.memref_slice %arg8[%dma_start3A_640] : memref<8x!tpu.dma_semaphore, #tpu.memory_space<semaphore_mem>> -> memref<1x!tpu.dma_semaphore, #tpu.memory_space<semaphore_mem>>
      %dma_start3A_648 = tpu.memref_squeeze %dma_start3A_647 : memref<1x!tpu.dma_semaphore, #tpu.memory_space<semaphore_mem>> -> memref<!tpu.dma_semaphore, #tpu.memory_space<semaphore_mem>>
      %dma_start3A_649 = arith.constant 0 : i32
      %dma_start3A_650 = tpu.memref_slice %arg4[%add3A_638, %dma_start3A_649] : memref<819200x64xf32, #tpu.memory_space<hbm>> -> memref<128x64xf32, #tpu.memory_space<hbm>>
      %dma_start3A_651 = arith.constant 0 : i32
      %dma_start3A_652 = arith.constant 0 : i32
      %dma_start3A_653 = tpu.memref_slice %arg6[%dma_start3A_639, %dma_start3A_651, %dma_start3A_652] : memref<8x128x64xf32, #tpu.memory_space<vmem>> -> memref<1x128x64xf32, #tpu.memory_space<vmem>>
      %dma_start3A_654 = tpu.memref_squeeze %dma_start3A_653 : memref<1x128x64xf32, #tpu.memory_space<vmem>> -> memref<128x64xf32, #tpu.memory_space<vmem>>
      tpu.enqueue_dma source(%dma_start3A_654 : memref<128x64xf32, #tpu.memory_space<vmem>>) target(%dma_start3A_650 : memref<128x64xf32, #tpu.memory_space<hbm>>) target_semaphore(%dma_start3A_648 : memref<!tpu.dma_semaphore, #tpu.memory_space<semaphore_mem>>)
    }
    %scan3A_6 = arith.constant 25 : i32
    %add3A_7 = arith.constant 24576 : i32
    %add3A_8 = arith.addi %mul3A_2, %add3A_7 : i32
    %dma_wait3A = arith.constant 0 : i32
    %dma_wait3A_9 = arith.constant 0 : i32
    %dma_wait3A_10 = arith.constant 0 : i32
    %dma_wait3A_11 = arith.constant 0 : i32
    %dma_wait3A_12 = tpu.memref_slice %arg6[%dma_wait3A, %dma_wait3A_10, %dma_wait3A_11] : memref<8x128x64xf32, #tpu.memory_space<vmem>> -> memref<1x128x64xf32, #tpu.memory_space<vmem>>
    %dma_wait3A_13 = tpu.memref_squeeze %dma_wait3A_12 : memref<1x128x64xf32, #tpu.memory_space<vmem>> -> memref<128x64xf32, #tpu.memory_space<vmem>>
    %dma_wait3A_14 = arith.constant 0 : i32
    %dma_wait3A_15 = tpu.memref_slice %arg4[%add3A_8, %dma_wait3A_14] : memref<819200x64xf32, #tpu.memory_space<hbm>> -> memref<128x64xf32, #tpu.memory_space<hbm>>
    %dma_wait3A_16 = tpu.memref_slice %arg8[%dma_wait3A_9] : memref<8x!tpu.dma_semaphore, #tpu.memory_space<semaphore_mem>> -> memref<1x!tpu.dma_semaphore, #tpu.memory_space<semaphore_mem>>
    %dma_wait3A_17 = tpu.memref_squeeze %dma_wait3A_16 : memref<1x!tpu.dma_semaphore, #tpu.memory_space<semaphore_mem>> -> memref<!tpu.dma_semaphore, #tpu.memory_space<semaphore_mem>>
    %dma_wait3A_18 = arith.constant 0 : i32
    %dma_wait3A_19 = tpu.memref_slice %arg4[%add3A_8, %dma_wait3A_18] : memref<819200x64xf32, #tpu.memory_space<hbm>> -> memref<128x64xf32, #tpu.memory_space<hbm>>
    %dma_wait3A_20 = arith.constant 0 : i32
    %dma_wait3A_21 = arith.constant 0 : i32
    %dma_wait3A_22 = tpu.memref_slice %arg6[%dma_wait3A, %dma_wait3A_20, %dma_wait3A_21] : memref<8x128x64xf32, #tpu.memory_space<vmem>> -> memref<1x128x64xf32, #tpu.memory_space<vmem>>
    %dma_wait3A_23 = tpu.memref_squeeze %dma_wait3A_22 : memref<1x128x64xf32, #tpu.memory_space<vmem>> -> memref<128x64xf32, #tpu.memory_space<vmem>>
    tpu.wait_dma2 semaphore(%dma_wait3A_17 : memref<!tpu.dma_semaphore, #tpu.memory_space<semaphore_mem>>) src(%dma_wait3A_23 : memref<128x64xf32, #tpu.memory_space<vmem>>) dst(%dma_wait3A_19 : memref<128x64xf32, #tpu.memory_space<hbm>>)
    %add3A_24 = arith.constant 24704 : i32
    %add3A_25 = arith.addi %mul3A_2, %add3A_24 : i32
    %dma_wait3A_26 = arith.constant 1 : i32
    %dma_wait3A_27 = arith.constant 1 : i32
    %dma_wait3A_28 = arith.constant 0 : i32
    %dma_wait3A_29 = arith.constant 0 : i32
    %dma_wait3A_30 = tpu.memref_slice %arg6[%dma_wait3A_26, %dma_wait3A_28, %dma_wait3A_29] : memref<8x128x64xf32, #tpu.memory_space<vmem>> -> memref<1x128x64xf32, #tpu.memory_space<vmem>>
    %dma_wait3A_31 = tpu.memref_squeeze %dma_wait3A_30 : memref<1x128x64xf32, #tpu.memory_space<vmem>> -> memref<128x64xf32, #tpu.memory_space<vmem>>
    %dma_wait3A_32 = arith.constant 0 : i32
    %dma_wait3A_33 = tpu.memref_slice %arg4[%add3A_25, %dma_wait3A_32] : memref<819200x64xf32, #tpu.memory_space<hbm>> -> memref<128x64xf32, #tpu.memory_space<hbm>>
    %dma_wait3A_34 = tpu.memref_slice %arg8[%dma_wait3A_27] : memref<8x!tpu.dma_semaphore, #tpu.memory_space<semaphore_mem>> -> memref<1x!tpu.dma_semaphore, #tpu.memory_space<semaphore_mem>>
    %dma_wait3A_35 = tpu.memref_squeeze %dma_wait3A_34 : memref<1x!tpu.dma_semaphore, #tpu.memory_space<semaphore_mem>> -> memref<!tpu.dma_semaphore, #tpu.memory_space<semaphore_mem>>
    %dma_wait3A_36 = arith.constant 0 : i32
    %dma_wait3A_37 = tpu.memref_slice %arg4[%add3A_25, %dma_wait3A_36] : memref<819200x64xf32, #tpu.memory_space<hbm>> -> memref<128x64xf32, #tpu.memory_space<hbm>>
    %dma_wait3A_38 = arith.constant 0 : i32
    %dma_wait3A_39 = arith.constant 0 : i32
    %dma_wait3A_40 = tpu.memref_slice %arg6[%dma_wait3A_26, %dma_wait3A_38, %dma_wait3A_39] : memref<8x128x64xf32, #tpu.memory_space<vmem>> -> memref<1x128x64xf32, #tpu.memory_space<vmem>>
    %dma_wait3A_41 = tpu.memref_squeeze %dma_wait3A_40 : memref<1x128x64xf32, #tpu.memory_space<vmem>> -> memref<128x64xf32, #tpu.memory_space<vmem>>
    tpu.wait_dma2 semaphore(%dma_wait3A_35 : memref<!tpu.dma_semaphore, #tpu.memory_space<semaphore_mem>>) src(%dma_wait3A_41 : memref<128x64xf32, #tpu.memory_space<vmem>>) dst(%dma_wait3A_37 : memref<128x64xf32, #tpu.memory_space<hbm>>)
    %add3A_42 = arith.constant 24832 : i32
    %add3A_43 = arith.addi %mul3A_2, %add3A_42 : i32
    %dma_wait3A_44 = arith.constant 2 : i32
    %dma_wait3A_45 = arith.constant 2 : i32
    %dma_wait3A_46 = arith.constant 0 : i32
    %dma_wait3A_47 = arith.constant 0 : i32
    %dma_wait3A_48 = tpu.memref_slice %arg6[%dma_wait3A_44, %dma_wait3A_46, %dma_wait3A_47] : memref<8x128x64xf32, #tpu.memory_space<vmem>> -> memref<1x128x64xf32, #tpu.memory_space<vmem>>
    %dma_wait3A_49 = tpu.memref_squeeze %dma_wait3A_48 : memref<1x128x64xf32, #tpu.memory_space<vmem>> -> memref<128x64xf32, #tpu.memory_space<vmem>>
    %dma_wait3A_50 = arith.constant 0 : i32
    %dma_wait3A_51 = tpu.memref_slice %arg4[%add3A_43, %dma_wait3A_50] : memref<819200x64xf32, #tpu.memory_space<hbm>> -> memref<128x64xf32, #tpu.memory_space<hbm>>
    %dma_wait3A_52 = tpu.memref_slice %arg8[%dma_wait3A_45] : memref<8x!tpu.dma_semaphore, #tpu.memory_space<semaphore_mem>> -> memref<1x!tpu.dma_semaphore, #tpu.memory_space<semaphore_mem>>
    %dma_wait3A_53 = tpu.memref_squeeze %dma_wait3A_52 : memref<1x!tpu.dma_semaphore, #tpu.memory_space<semaphore_mem>> -> memref<!tpu.dma_semaphore, #tpu.memory_space<semaphore_mem>>
    %dma_wait3A_54 = arith.constant 0 : i32
    %dma_wait3A_55 = tpu.memref_slice %arg4[%add3A_43, %dma_wait3A_54] : memref<819200x64xf32, #tpu.memory_space<hbm>> -> memref<128x64xf32, #tpu.memory_space<hbm>>
    %dma_wait3A_56 = arith.constant 0 : i32
    %dma_wait3A_57 = arith.constant 0 : i32
    %dma_wait3A_58 = tpu.memref_slice %arg6[%dma_wait3A_44, %dma_wait3A_56, %dma_wait3A_57] : memref<8x128x64xf32, #tpu.memory_space<vmem>> -> memref<1x128x64xf32, #tpu.memory_space<vmem>>
    %dma_wait3A_59 = tpu.memref_squeeze %dma_wait3A_58 : memref<1x128x64xf32, #tpu.memory_space<vmem>> -> memref<128x64xf32, #tpu.memory_space<vmem>>
    tpu.wait_dma2 semaphore(%dma_wait3A_53 : memref<!tpu.dma_semaphore, #tpu.memory_space<semaphore_mem>>) src(%dma_wait3A_59 : memref<128x64xf32, #tpu.memory_space<vmem>>) dst(%dma_wait3A_55 : memref<128x64xf32, #tpu.memory_space<hbm>>)
    %add3A_60 = arith.constant 24960 : i32
    %add3A_61 = arith.addi %mul3A_2, %add3A_60 : i32
    %dma_wait3A_62 = arith.constant 3 : i32
    %dma_wait3A_63 = arith.constant 3 : i32
    %dma_wait3A_64 = arith.constant 0 : i32
    %dma_wait3A_65 = arith.constant 0 : i32
    %dma_wait3A_66 = tpu.memref_slice %arg6[%dma_wait3A_62, %dma_wait3A_64, %dma_wait3A_65] : memref<8x128x64xf32, #tpu.memory_space<vmem>> -> memref<1x128x64xf32, #tpu.memory_space<vmem>>
    %dma_wait3A_67 = tpu.memref_squeeze %dma_wait3A_66 : memref<1x128x64xf32, #tpu.memory_space<vmem>> -> memref<128x64xf32, #tpu.memory_space<vmem>>
    %dma_wait3A_68 = arith.constant 0 : i32
    %dma_wait3A_69 = tpu.memref_slice %arg4[%add3A_61, %dma_wait3A_68] : memref<819200x64xf32, #tpu.memory_space<hbm>> -> memref<128x64xf32, #tpu.memory_space<hbm>>
    %dma_wait3A_70 = tpu.memref_slice %arg8[%dma_wait3A_63] : memref<8x!tpu.dma_semaphore, #tpu.memory_space<semaphore_mem>> -> memref<1x!tpu.dma_semaphore, #tpu.memory_space<semaphore_mem>>
    %dma_wait3A_71 = tpu.memref_squeeze %dma_wait3A_70 : memref<1x!tpu.dma_semaphore, #tpu.memory_space<semaphore_mem>> -> memref<!tpu.dma_semaphore, #tpu.memory_space<semaphore_mem>>
    %dma_wait3A_72 = arith.constant 0 : i32
    %dma_wait3A_73 = tpu.memref_slice %arg4[%add3A_61, %dma_wait3A_72] : memref<819200x64xf32, #tpu.memory_space<hbm>> -> memref<128x64xf32, #tpu.memory_space<hbm>>
    %dma_wait3A_74 = arith.constant 0 : i32
    %dma_wait3A_75 = arith.constant 0 : i32
    %dma_wait3A_76 = tpu.memref_slice %arg6[%dma_wait3A_62, %dma_wait3A_74, %dma_wait3A_75] : memref<8x128x64xf32, #tpu.memory_space<vmem>> -> memref<1x128x64xf32, #tpu.memory_space<vmem>>
    %dma_wait3A_77 = tpu.memref_squeeze %dma_wait3A_76 : memref<1x128x64xf32, #tpu.memory_space<vmem>> -> memref<128x64xf32, #tpu.memory_space<vmem>>
    tpu.wait_dma2 semaphore(%dma_wait3A_71 : memref<!tpu.dma_semaphore, #tpu.memory_space<semaphore_mem>>) src(%dma_wait3A_77 : memref<128x64xf32, #tpu.memory_space<vmem>>) dst(%dma_wait3A_73 : memref<128x64xf32, #tpu.memory_space<hbm>>)
    %add3A_78 = arith.constant 25088 : i32
    %add3A_79 = arith.addi %mul3A_2, %add3A_78 : i32
    %dma_wait3A_80 = arith.constant 4 : i32
    %dma_wait3A_81 = arith.constant 4 : i32
    %dma_wait3A_82 = arith.constant 0 : i32
    %dma_wait3A_83 = arith.constant 0 : i32
    %dma_wait3A_84 = tpu.memref_slice %arg6[%dma_wait3A_80, %dma_wait3A_82, %dma_wait3A_83] : memref<8x128x64xf32, #tpu.memory_space<vmem>> -> memref<1x128x64xf32, #tpu.memory_space<vmem>>
    %dma_wait3A_85 = tpu.memref_squeeze %dma_wait3A_84 : memref<1x128x64xf32, #tpu.memory_space<vmem>> -> memref<128x64xf32, #tpu.memory_space<vmem>>
    %dma_wait3A_86 = arith.constant 0 : i32
    %dma_wait3A_87 = tpu.memref_slice %arg4[%add3A_79, %dma_wait3A_86] : memref<819200x64xf32, #tpu.memory_space<hbm>> -> memref<128x64xf32, #tpu.memory_space<hbm>>
    %dma_wait3A_88 = tpu.memref_slice %arg8[%dma_wait3A_81] : memref<8x!tpu.dma_semaphore, #tpu.memory_space<semaphore_mem>> -> memref<1x!tpu.dma_semaphore, #tpu.memory_space<semaphore_mem>>
    %dma_wait3A_89 = tpu.memref_squeeze %dma_wait3A_88 : memref<1x!tpu.dma_semaphore, #tpu.memory_space<semaphore_mem>> -> memref<!tpu.dma_semaphore, #tpu.memory_space<semaphore_mem>>
    %dma_wait3A_90 = arith.constant 0 : i32
    %dma_wait3A_91 = tpu.memref_slice %arg4[%add3A_79, %dma_wait3A_90] : memref<819200x64xf32, #tpu.memory_space<hbm>> -> memref<128x64xf32, #tpu.memory_space<hbm>>
    %dma_wait3A_92 = arith.constant 0 : i32
    %dma_wait3A_93 = arith.constant 0 : i32
    %dma_wait3A_94 = tpu.memref_slice %arg6[%dma_wait3A_80, %dma_wait3A_92, %dma_wait3A_93] : memref<8x128x64xf32, #tpu.memory_space<vmem>> -> memref<1x128x64xf32, #tpu.memory_space<vmem>>
    %dma_wait3A_95 = tpu.memref_squeeze %dma_wait3A_94 : memref<1x128x64xf32, #tpu.memory_space<vmem>> -> memref<128x64xf32, #tpu.memory_space<vmem>>
    tpu.wait_dma2 semaphore(%dma_wait3A_89 : memref<!tpu.dma_semaphore, #tpu.memory_space<semaphore_mem>>) src(%dma_wait3A_95 : memref<128x64xf32, #tpu.memory_space<vmem>>) dst(%dma_wait3A_91 : memref<128x64xf32, #tpu.memory_space<hbm>>)
    %add3A_96 = arith.constant 25216 : i32
    %add3A_97 = arith.addi %mul3A_2, %add3A_96 : i32
    %dma_wait3A_98 = arith.constant 5 : i32
    %dma_wait3A_99 = arith.constant 5 : i32
    %dma_wait3A_100 = arith.constant 0 : i32
    %dma_wait3A_101 = arith.constant 0 : i32
    %dma_wait3A_102 = tpu.memref_slice %arg6[%dma_wait3A_98, %dma_wait3A_100, %dma_wait3A_101] : memref<8x128x64xf32, #tpu.memory_space<vmem>> -> memref<1x128x64xf32, #tpu.memory_space<vmem>>
    %dma_wait3A_103 = tpu.memref_squeeze %dma_wait3A_102 : memref<1x128x64xf32, #tpu.memory_space<vmem>> -> memref<128x64xf32, #tpu.memory_space<vmem>>
    %dma_wait3A_104 = arith.constant 0 : i32
    %dma_wait3A_105 = tpu.memref_slice %arg4[%add3A_97, %dma_wait3A_104] : memref<819200x64xf32, #tpu.memory_space<hbm>> -> memref<128x64xf32, #tpu.memory_space<hbm>>
    %dma_wait3A_106 = tpu.memref_slice %arg8[%dma_wait3A_99] : memref<8x!tpu.dma_semaphore, #tpu.memory_space<semaphore_mem>> -> memref<1x!tpu.dma_semaphore, #tpu.memory_space<semaphore_mem>>
    %dma_wait3A_107 = tpu.memref_squeeze %dma_wait3A_106 : memref<1x!tpu.dma_semaphore, #tpu.memory_space<semaphore_mem>> -> memref<!tpu.dma_semaphore, #tpu.memory_space<semaphore_mem>>
    %dma_wait3A_108 = arith.constant 0 : i32
    %dma_wait3A_109 = tpu.memref_slice %arg4[%add3A_97, %dma_wait3A_108] : memref<819200x64xf32, #tpu.memory_space<hbm>> -> memref<128x64xf32, #tpu.memory_space<hbm>>
    %dma_wait3A_110 = arith.constant 0 : i32
    %dma_wait3A_111 = arith.constant 0 : i32
    %dma_wait3A_112 = tpu.memref_slice %arg6[%dma_wait3A_98, %dma_wait3A_110, %dma_wait3A_111] : memref<8x128x64xf32, #tpu.memory_space<vmem>> -> memref<1x128x64xf32, #tpu.memory_space<vmem>>
    %dma_wait3A_113 = tpu.memref_squeeze %dma_wait3A_112 : memref<1x128x64xf32, #tpu.memory_space<vmem>> -> memref<128x64xf32, #tpu.memory_space<vmem>>
    tpu.wait_dma2 semaphore(%dma_wait3A_107 : memref<!tpu.dma_semaphore, #tpu.memory_space<semaphore_mem>>) src(%dma_wait3A_113 : memref<128x64xf32, #tpu.memory_space<vmem>>) dst(%dma_wait3A_109 : memref<128x64xf32, #tpu.memory_space<hbm>>)
    %add3A_114 = arith.constant 25344 : i32
    %add3A_115 = arith.addi %mul3A_2, %add3A_114 : i32
    %dma_wait3A_116 = arith.constant 6 : i32
    %dma_wait3A_117 = arith.constant 6 : i32
    %dma_wait3A_118 = arith.constant 0 : i32
    %dma_wait3A_119 = arith.constant 0 : i32
    %dma_wait3A_120 = tpu.memref_slice %arg6[%dma_wait3A_116, %dma_wait3A_118, %dma_wait3A_119] : memref<8x128x64xf32, #tpu.memory_space<vmem>> -> memref<1x128x64xf32, #tpu.memory_space<vmem>>
    %dma_wait3A_121 = tpu.memref_squeeze %dma_wait3A_120 : memref<1x128x64xf32, #tpu.memory_space<vmem>> -> memref<128x64xf32, #tpu.memory_space<vmem>>
    %dma_wait3A_122 = arith.constant 0 : i32
    %dma_wait3A_123 = tpu.memref_slice %arg4[%add3A_115, %dma_wait3A_122] : memref<819200x64xf32, #tpu.memory_space<hbm>> -> memref<128x64xf32, #tpu.memory_space<hbm>>
    %dma_wait3A_124 = tpu.memref_slice %arg8[%dma_wait3A_117] : memref<8x!tpu.dma_semaphore, #tpu.memory_space<semaphore_mem>> -> memref<1x!tpu.dma_semaphore, #tpu.memory_space<semaphore_mem>>
    %dma_wait3A_125 = tpu.memref_squeeze %dma_wait3A_124 : memref<1x!tpu.dma_semaphore, #tpu.memory_space<semaphore_mem>> -> memref<!tpu.dma_semaphore, #tpu.memory_space<semaphore_mem>>
    %dma_wait3A_126 = arith.constant 0 : i32
    %dma_wait3A_127 = tpu.memref_slice %arg4[%add3A_115, %dma_wait3A_126] : memref<819200x64xf32, #tpu.memory_space<hbm>> -> memref<128x64xf32, #tpu.memory_space<hbm>>
    %dma_wait3A_128 = arith.constant 0 : i32
    %dma_wait3A_129 = arith.constant 0 : i32
    %dma_wait3A_130 = tpu.memref_slice %arg6[%dma_wait3A_116, %dma_wait3A_128, %dma_wait3A_129] : memref<8x128x64xf32, #tpu.memory_space<vmem>> -> memref<1x128x64xf32, #tpu.memory_space<vmem>>
    %dma_wait3A_131 = tpu.memref_squeeze %dma_wait3A_130 : memref<1x128x64xf32, #tpu.memory_space<vmem>> -> memref<128x64xf32, #tpu.memory_space<vmem>>
    tpu.wait_dma2 semaphore(%dma_wait3A_125 : memref<!tpu.dma_semaphore, #tpu.memory_space<semaphore_mem>>) src(%dma_wait3A_131 : memref<128x64xf32, #tpu.memory_space<vmem>>) dst(%dma_wait3A_127 : memref<128x64xf32, #tpu.memory_space<hbm>>)
    %add3A_132 = arith.constant 25472 : i32
    %add3A_133 = arith.addi %mul3A_2, %add3A_132 : i32
    %dma_wait3A_134 = arith.constant 7 : i32
    %dma_wait3A_135 = arith.constant 7 : i32
    %dma_wait3A_136 = arith.constant 0 : i32
    %dma_wait3A_137 = arith.constant 0 : i32
    %dma_wait3A_138 = tpu.memref_slice %arg6[%dma_wait3A_134, %dma_wait3A_136, %dma_wait3A_137] : memref<8x128x64xf32, #tpu.memory_space<vmem>> -> memref<1x128x64xf32, #tpu.memory_space<vmem>>
    %dma_wait3A_139 = tpu.memref_squeeze %dma_wait3A_138 : memref<1x128x64xf32, #tpu.memory_space<vmem>> -> memref<128x64xf32, #tpu.memory_space<vmem>>
    %dma_wait3A_140 = arith.constant 0 : i32
    %dma_wait3A_141 = tpu.memref_slice %arg4[%add3A_133, %dma_wait3A_140] : memref<819200x64xf32, #tpu.memory_space<hbm>> -> memref<128x64xf32, #tpu.memory_space<hbm>>
    %dma_wait3A_142 = tpu.memref_slice %arg8[%dma_wait3A_135] : memref<8x!tpu.dma_semaphore, #tpu.memory_space<semaphore_mem>> -> memref<1x!tpu.dma_semaphore, #tpu.memory_space<semaphore_mem>>
    %dma_wait3A_143 = tpu.memref_squeeze %dma_wait3A_142 : memref<1x!tpu.dma_semaphore, #tpu.memory_space<semaphore_mem>> -> memref<!tpu.dma_semaphore, #tpu.memory_space<semaphore_mem>>
    %dma_wait3A_144 = arith.constant 0 : i32
    %dma_wait3A_145 = tpu.memref_slice %arg4[%add3A_133, %dma_wait3A_144] : memref<819200x64xf32, #tpu.memory_space<hbm>> -> memref<128x64xf32, #tpu.memory_space<hbm>>
    %dma_wait3A_146 = arith.constant 0 : i32
    %dma_wait3A_147 = arith.constant 0 : i32
    %dma_wait3A_148 = tpu.memref_slice %arg6[%dma_wait3A_134, %dma_wait3A_146, %dma_wait3A_147] : memref<8x128x64xf32, #tpu.memory_space<vmem>> -> memref<1x128x64xf32, #tpu.memory_space<vmem>>
    %dma_wait3A_149 = tpu.memref_squeeze %dma_wait3A_148 : memref<1x128x64xf32, #tpu.memory_space<vmem>> -> memref<128x64xf32, #tpu.memory_space<vmem>>
    tpu.wait_dma2 semaphore(%dma_wait3A_143 : memref<!tpu.dma_semaphore, #tpu.memory_space<semaphore_mem>>) src(%dma_wait3A_149 : memref<128x64xf32, #tpu.memory_space<vmem>>) dst(%dma_wait3A_145 : memref<128x64xf32, #tpu.memory_space<hbm>>)
    return
  }
}

</mosaic_0001>

<sc_bundles>
// kernel: kernel.3.cloned.1.call-start
scs
__scs_entry_jumppad:
0x0: {  	(pc) =	sbr.rel $0x88, $3  }
0x1: {  	(tag) =	ssettag $0x0;
	lr =	simm.s32 $0x1  }
0x2: {  	[smem:$0x3F9F] =	sst lr;
	_ =	strace $0xD0000000  }
0x3: {  	_ = 	snop  }
0x4: {  	_ = 	snop  }
0x5: {  	_ = 	snop  }
0x6: {  	_ = 	snop  }
0x7: {  	_ = 	snop  }
__scs_overlays_trampoline_lowered:
0x8: {  	[smem:$0x3FAE] =	sst s0  }
0x9: {  	[smem:$0x3FAF] =	sst s1  }
0xa: {  	[smem:$0x3FB0] =	sst s2  }
0xb: {  	[smem:$0x3FB1] =	sst s3  }
0xc: {  	[smem:$0x3FB2] =	sst s4  }
0xd: {  	[smem:$0x3FB3] =	sst s5  }
0xe: {  	[smem:$0x3FB4] =	sst s6  }
0xf: {  	[smem:$0x3FB5] =	sst s7  }
0x10: {  	[smem:$0x3FB6] =	sst s8  }
0x11: {  	[smem:$0x3FB7] =	sst s9;
	s0 =	simm.s32 @!p0 $0x0  }
0x12: {  	s1 =	sld [smem:$0x3F9D];
	s0 =	simm.s32 @p0 $0x1  }
0x13: {  	[smem:$0x3FB8] =	sst s0;
	s0 =	simm.s32 @!p1 $0x0  }
0x14: {  	s2 =	sld [smem:$0x3F9C];
	s0 =	simm.s32 @p1 $0x1  }
0x15: {  	[smem:$0x3FB9] =	sst s0;
	s0 =	simm.s32 @!p2 $0x0  }
0x16: {  	s3 =	sld [smem:$0x3FDB];
	s0 =	simm.s32 @p2 $0x1  }
0x17: {  	s4 =	simm.s32 $0x1BF5;
	[smem:$0x3FBB] =	sst s0  }
0x18: {  	s0 =	sld [smem:$0x3F9E];
	_ =	swait.ge [sflag:s4], $0x0  }
0x19: {  	s7 =	sld [smem:$0x3F9F]  }
0x1a: {  	s8 =	sadd.s32 $0xFFFFE003, lr  }
0x1b: {  	s9 =	sadd.s32 $0xFFFFFEF7, lr;
	s5 =	simm.s32 $0xFFFFFFFF;
	p2 =	slt.u32 s8, $0xFFFFF086  }
0x1c: {  	p1 =	slt.u32 s9, $0xF7A;
	s5 =	simm.s32 @!p2 $0x0  }
0x1d: {  	s5 =	simm.s32 @p1 $0x1;
	p0 =	seq.s32 s7, s2  }
0x1e: {  	s7 =	smul.u32 @!p0 $0xF7A, s2;
	p2 =	seq.s32 @!p0 s5, $0x0  }
0x1f: {  	s9 =	smul.u32 $0xF7A, s1;
	s8 =	simm.s32 @!p0 $0x1BF5;
	p2 =	por !p2, p0  }
0x20: {  	[sflag:s8] =	ssyncset.s32 @!p0 $0xFFFFF086;
	s6 =	sadd.s32 @!p0 s3, s7;
	s7 =	simm.s32 @!p0 $0x108  }
0x21: {  	s3 =	sadd.s32 s3, s9;
	s6 =	sadd.s32 @!p0 $0x88, s6;
	s7 =	simm.s32 @p2 $0x1082  }
0x22: {  	[simem:s7], [sflag:s8] =	dma.local @!p0 [hbm:s6], $0xF7A  }
0x23: {  	s9 =	sor.u32 $0xD0000000, s2;
	s6 =	simm.s32 $0x108;
	_ =	swait.ge @!p0 [sflag:s8], $0x0  }
0x24: {  	s3 =	sadd.s32 $0x88, s3;
	s6 =	simm.s32 @!p1 $0x1082;
	[sflag:s4] =	ssyncset.s32 $0xFFFFF086  }
0x25: {  	[simem:s6], [sflag:s4] =	dma.local [hbm:s3], $0xF7A  }
0x26: {  	[smem:$0x3F9F] =	sst s1;
	(tag) =	ssettag s2;
	_ =	strace s9  }
0x27: {  	s1 =	sld [smem:$0x3FAF]  }
0x28: {  	s2 =	sld [smem:$0x3FB0]  }
0x29: {  	s4 =	sld [smem:$0x3FB2]  }
0x2a: {  	p0 =	seq.s32 s5, $0x0;
	s5 =	sld [smem:$0x3FB3]  }
0x2b: {  	s6 =	sld [smem:$0x3FB4]  }
0x2c: {  	s7 =	sld [smem:$0x3FB5]  }
0x2d: {  	s3 =	simm.s32 $0x108;
	s8 =	sld [smem:$0x3FB6]  }
0x2e: {  	s3 =	simm.s32 @!p0 $0x1082;
	s9 =	sld [smem:$0x3FB7]  }
0x2f: {  	lr =	sadd.s32 s0, s3;
	s0 =	sld [smem:$0x3FAE]  }
0x30: {  	s3 =	sld [smem:$0x3FB1]  }
0x31: {  	[smem:$0x3FBA] =	sst s10  }
0x32: {  	s10 =	sld [smem:$0x3FB8];
	_ =	sdelay $0x3  }
0x33: {  	p0 =	seq.s32 s10, $0x1;
	s10 =	sld [smem:$0x3FBA];
	_ =	sdelay $0x3  }
0x34: {  	[smem:$0x3FBA] =	sst s10  }
0x35: {  	s10 =	sld [smem:$0x3FB9];
	_ =	sdelay $0x3  }
0x36: {  	p1 =	seq.s32 s10, $0x1;
	s10 =	sld [smem:$0x3FBA];
	_ =	sdelay $0x3  }
0x37: {  	[smem:$0x3FBA] =	sst s10  }
0x38: {  	s10 =	sld [smem:$0x3FBB]  }
0x39: {  	_ = 	snop;
	(pc) =	sbr.ind lr, $3  }
0x3a: {  	_ = 	snop  }
0x3b: {  	_ = 	snop  }
0x3c: {  	p2 =	seq.s32 s10, $0x1;
	s10 =	sld [smem:$0x3FBA]  }
0x3d: {  	_ =	shalt  }
0x3e: {  	_ =	shalt  }
0x3f: {  	_ =	shalt  }
0x40: {  	_ =	shalt  }
0x41: {  	_ =	shalt  }
0x42: {  	_ =	shalt  }
0x43: {  	_ =	shalt  }
0x44: {  	_ =	shalt  }
0x45: {  	_ =	shalt  }
0x46: {  	_ =	shalt  }
0x47: {  	_ =	shalt  }
0x48: {  	_ =	shalt  }
0x49: {  	_ =	shalt  }
0x4a: {  	_ =	shalt  }
0x4b: {  	_ =	shalt  }
0x4c: {  	_ =	shalt  }
0x4d: {  	_ =	shalt  }
0x4e: {  	_ =	shalt  }
0x4f: {  	_ =	shalt  }
0x50: {  	_ =	shalt  }
0x51: {  	_ =	shalt  }
0x52: {  	_ =	shalt  }
0x53: {  	_ =	shalt  }
0x54: {  	_ =	shalt  }
0x55: {  	_ =	shalt  }
0x56: {  	_ =	shalt  }
0x57: {  	_ =	shalt  }
0x58: {  	_ =	shalt  }
0x59: {  	_ =	shalt  }
0x5a: {  	_ =	shalt  }
0x5b: {  	_ =	shalt  }
0x5c: {  	_ =	shalt  }
0x5d: {  	_ =	shalt  }
0x5e: {  	_ =	shalt  }
0x5f: {  	_ =	shalt  }
0x60: {  	_ =	shalt  }
0x61: {  	_ =	shalt  }
0x62: {  	_ =	shalt  }
0x63: {  	_ =	shalt  }
0x64: {  	_ =	shalt  }
0x65: {  	_ =	shalt  }
0x66: {  	_ =	shalt  }
0x67: {  	_ =	shalt  }
0x68: {  	_ =	shalt  }
0x69: {  	_ =	shalt  }
0x6a: {  	_ =	shalt  }
0x6b: {  	_ =	shalt  }
0x6c: {  	_ =	shalt  }
0x6d: {  	_ =	shalt  }
0x6e: {  	_ =	shalt  }
0x6f: {  	_ =	shalt  }
0x70: {  	_ =	shalt  }
0x71: {  	_ =	shalt  }
0x72: {  	_ =	shalt  }
0x73: {  	_ =	shalt  }
0x74: {  	_ =	shalt  }
0x75: {  	_ =	shalt  }
0x76: {  	_ =	shalt  }
0x77: {  	_ =	shalt  }
0x78: {  	_ =	shalt  }
0x79: {  	_ =	shalt  }
0x7a: {  	_ =	shalt  }
0x7b: {  	_ =	shalt  }
0x7c: {  	_ =	shalt  }
0x7d: {  	_ =	shalt  }
0x7e: {  	_ =	shalt  }
0x7f: {  	_ =	shalt  }
0x80: {  	_ =	shalt  }
0x81: {  	_ =	shalt  }
0x82: {  	_ =	shalt  }
0x83: {  	_ =	shalt  }
0x84: {  	_ =	shalt  }
0x85: {  	_ =	shalt  }
0x86: {  	_ =	shalt  }
0x87: {  	_ =	shalt  }
.Lfunc_end0:
.L_simem_size_0:
called_computation.1_lowered:
.L_overlay_start_0:
0x88: {  	s2 =	sld [smem:$0x3FD9]  }
0x89: {  	s3 =	sld [smem:$0x3FFE];
	_ =	sdelay $0x1  }
0x8a: {  	s1 =	srdreg.scid  }
0x8b: {  	s0 =	sand.u32 $0x1, s1  }
0x8c: {  	s17 =	sshll.u32 s0, $0xA;
	s2 =	sadd.s32 s3, s2  }
0x8d: {  	s2 =	sadd.s32 s2, s17  }
0x8e: {  	[smem:$0x3FC6] =	sst s2  }
0x8f: {  	_ = 	snop  }
0x90: {  	s2 =	sld [smem:$0x3FD0];
	(tm) =	ssettm $0x1  }
0x91: {  	s18 =	sld [smem:$0x3FFB];
	_ =	sdelay $0x3  }
0x92: {  	_ =	strace s18  }
0x93: {  	s3 =	sld [smem:$0x3FFC];
	_ =	sdelay $0x3  }
0x94: {  	_ =	strace s3  }
0x95: {  	s3 =	sld [smem:$0x3FFD];
	_ =	sdelay $0x3  }
0x96: {  	_ =	strace s3  }
0x97: {  	_ =	strace $0x8FFFFFFF  }
0x98: {  	s19 =	sld [smem:$0x3FDB];
	_ =	sdelay $0x1  }
0x99: {  	s4 =	simm.s32 $_scs_section_size  }
0x9a: {  	s5 =	simm.s32 $_size__tile_overlayer_lowered;
	s6 =	simm.s32 $_tile_overlayer_lowered  }
0x9b: {  	s22 =	simm.s32 $0x1BFF;
	s21 =	sshll.u32 s6, $0x1;
	s3 =	sadd.s32 s4, s19  }
0x9c: {  	s7 =	simm.s32 $0x0;
	s20 =	sshll.u32 s5, $0x1;
	s5 =	sadd.s32 s21, s3  }
0x9d: {  	[timem:s7], [sflag:s22] =	dma.local [hbm:s5], s20  }
0x9e: {  	_ =	swait.ge [sflag:s22], s20  }
0x9f: {  	s4 =	ssub.s32 $0x0, s20;
	[sflag:s22] =	ssyncset.done $0x0  }
0xa0: {  	[sflag:s22] =	ssyncadd.s32 s4;
	_ =	sdelay $0x1  }
0xa1: {  	s23 =	simm.s32 $0x1B8B  }
0xa2: {  	_ =	swait.ge [sflag:s23], $0x1  }
0xa3: {  	[sflag:s23] =	ssyncset.done $0x0  }
0xa4: {  	s25 =	simm.s32 $0x1B8E;
	s24 =	sld [smem:$0x3FFE];
	[sflag:s23] =	ssyncadd.s32 $0xFFFFFFFF  }
0xa5: {  	s26 =	simm.s32 $execute0_lowered;
	[smem:$0x3FD2] =	sst s25  }
0xa6: {  	s5 =	sshll.u32 s26, $0x1;
	_ =	strace $0x80000046;
	[dreg:$0x1] =	wrdreg $0xFFFFFFFF  }
0xa7: {  	s28 =	simm.s32 $_size_execute0_lowered;
	s3 =	sadd.s32 s3, s5;
	[dreg:$0x0] =	wrdreg $0x0  }
0xa8: {  	s5 =	sshll.u32 s28, $0x1;
	[dreg:$0x2] =	wrdreg s3  }
0xa9: {  	[dreg:$0x3] =	wrdreg s5  }
0xaa: {  	[dreg:$0x4] =	wrdreg $0xC0  }
0xab: {  	_ =	task [dreg:s7], $0x5FFFF  }
0xac: {  	[dreg:$0x1] =	wrdreg $0xFFFFFFFF  }
0xad: {  	[dreg:$0x0] =	wrdreg $0x60  }
0xae: {  	[dreg:$0x2] =	wrdreg s24  }
0xaf: {  	[dreg:$0x3] =	wrdreg s2  }
0xb0: {  	[dreg:$0x4] =	wrdreg $0x9  }
0xb1: {  	_ =	task.clear_ibuf [dreg:s7], $0x5FFFF;
	_ =	strace $0x90000046  }
0xb2: {  	s29 =	simm.s32 $0x9;
	_ =	strace $0x80000048  }
0xb3: {  	_ =	swait.ge [sflag:s29], $0x1  }
0xb4: {  	[sflag:s29] =	ssyncadd.s32 $0xFFFFFFFF  }
0xb5: {  	_ =	strace $0x90000048  }
0xb6: {  	_ =	sfence  }
0xb7: {  	s30 =	sld [smem:$0x0];
	_ =	sdelay $0x2  }
0xb8: {  	s31 =	sshll.u32 s1, $0xD;
	s1 =	sshrl.u32 s1, $0x2  }
0xb9: {  	s3 =	sand.u32 $0x4000, s31;
	s1 =	sadd.s32 s1, s30  }
0xba: {  	s0 =	sor.u32 s3, s0;
	s1 =	sshll.u32 s1, $0x11  }
0xbb: {  	s0 =	sor.u32 s1, s0  }
0xbc: {  	s0 =	sadd.s32 $0x8F2B, s0  }
0xbd: {  	[sflag:s0] =	ssyncadd.remote.s32 $0x1  }
0xbe: {  	_ =	sfence.sel $0xFFFF  }
0xbf: {  	[dreg:$0x0] =	wrdreg $0xFFFFFFFF;
	(pc) =	sbr.abs _section_cstart, $3  }
0xc0: {  	[dreg:$0x1] =	wrdreg $0xFFFFFFFF  }
0xc1: {  	_ =	task.clear_ibuf [dreg:s7], $0x2FFFF;
	_ =	strace $0x9FFFFFFF  }
0xc2: {  	(tm) =	ssettm $0x7FFFFFFF  }
0xc3: {  	_ =	shalt  }
tec
execute0_lowered:
.L_overlay_start_1:
0x0: {  	(tag) =	ssettag $0x1  }
0x1: {  	s0 =	srdreg.scid  }
0x2: {  	s2 =	stileid.u32;
	s5 =	rddreg [dreg:$0x0];
	s4 =	simm.s32 $0x0  }
0x3: {  	s10 =	simm.s32 $0x14400;
	s11 =	simm.s32 $0x1;
	s13 =	simm.s32 $0x2  }
0x4: {  	s14 =	simm.s32 $0x8400;
	s15 =	simm.s32 $0x3;
	s16 =	simm.s32 $0xA400  }
0x5: {  	s17 =	simm.s32 $0x4;
	s18 =	simm.s32 $0xC400;
	s0 =	sand.u32 $0x1, s0  }
0x6: {  	s19 =	simm.s32 $0x5;
	s20 =	simm.s32 $0xE400;
	s1 =	sshll.u32 s0, $0x4  }
0x7: {  	s21 =	simm.s32 $0x6;
	s22 =	simm.s32 $0x10400;
	s1 =	sor.u32 s2, s1  }
0x8: {  	s23 =	simm.s32 $0x7;
	s0 =	ssub.s32 $0x2, s0;
	s3 =	smul.u32 $0x6400, s1  }
0x9: {  	s24 =	simm.s32 $0x12400;
	s25 =	simm.s32 $0x8;
	s6 =	sshrl.u32 s0, $0x1  }
0xa: {  	[smem:$0x7FF] =	sst s4;
	s0 =	ssub.s32 s0, s6;
	s1 =	sshrl.u32 s3, $0x3  }
0xb: {  	s2 =	rddreg [dreg:$0x1];
	s0 =	smax.u32 s0, $0x1;
	s1 =	sadd.s32 s1, s5  }
0xc: {  	_ =	strace $0x80000047;
	[dreg:$0x4] =	wrdreg s0;
	s1 =	sadd.s32 $0xA00, s1  }
0xd: {  	s6 =	simm.s32 $0x0;
	s5 =	sadd.s32 $0xF42E00, s5;
	[dreg:$0x3] =	wrdreg s1  }
.LBB2_1:
0xe: {  	[dreg:$0x5] =	wrdreg s6  }
0xf: {  	s0 =	rddreg [dreg:$0x3];
	s31 =	simm.s32 $0x11  }
0x10: {  	[tilespmem:s4], [sflag:$0x11] =	stream.linear.gather [hbm4b:s0+s4], $0x6400, $0x38;
	[tilespmem:$0x16400] =	vst v63  }
0x11: {  	_ =	swait.ge [sflag:s31], $0x6400  }
0x12: {  	[sflag:s31] =	ssyncset.done $0x0  }
0x13: {  	s8 =	simm.s32 $0x0;
	[sflag:s31] =	ssyncadd.s32 $0xFFFF9C00  }
.LBB2_2:
0x14: {  	p0 =	sne.s32 s8, $0x0  }
0x15: {  	s0 =	simm.s32 @p0 $0x9  }
0x16: {  	_ =	swait.ge @p0 [sflag:s0], $0x2000  }
0x17: {  	s6 =	sshll.u32 @p0 s8, $0xA;
	[sflag:s0] =	ssyncset.done @p0 $0x0  }
0x18: {  	s7 =	simm.s32 @p0 $0x80;
	[sflag:s0] =	ssyncadd.s32 @p0 $0xFFFFE000;
	s0 =	simm.s32 @p0 $0x6400  }
0x19: {  	[tilespmem:s0], [sflag:$0x1] =	stream.indirect.gather @p0 [hbm4b:s5+s7], $0x40, s6, s7, $0xb8;
	[tilespmem:$0x16400] =	vst v63  }
0x1a: {  	s0 =	simm.s32 @p0 $0xA  }
0x1b: {  	_ =	swait.ge @p0 [sflag:s0], $0x2000  }
0x1c: {  	[sflag:s0] =	ssyncset.done @p0 $0x0  }
0x1d: {  	s1 =	simm.s32 @p0 $0x8400;
	[sflag:s0] =	ssyncadd.s32 @p0 $0xFFFFE000;
	s0 =	sor.u32 @p0 $0x80, s6  }
0x1e: {  	[tilespmem:s1], [sflag:$0x2] =	stream.indirect.gather @p0 [hbm4b:s5+s7], $0x40, s0, s7, $0xb8;
	[tilespmem:$0x16400] =	vst v63  }
0x1f: {  	s1 =	simm.s32 @p0 $0xB  }
0x20: {  	_ =	swait.ge @p0 [sflag:s1], $0x2000  }
0x21: {  	[sflag:s1] =	ssyncset.done @p0 $0x0  }
0x22: {  	s9 =	simm.s32 @p0 $0xA400;
	[sflag:s1] =	ssyncadd.s32 @p0 $0xFFFFE000;
	s1 =	sor.u32 @p0 $0x100, s6  }
0x23: {  	[tilespmem:s9], [sflag:$0x3] =	stream.indirect.gather @p0 [hbm4b:s5+s7], $0x40, s1, s7, $0xb8;
	[tilespmem:$0x16400] =	vst v63  }
0x24: {  	s9 =	simm.s32 @p0 $0xC  }
0x25: {  	_ =	swait.ge @p0 [sflag:s9], $0x2000  }
0x26: {  	[sflag:s9] =	ssyncset.done @p0 $0x0  }
0x27: {  	s31 =	sor.u32 @p0 $0x180, s6;
	[sflag:s9] =	ssyncadd.s32 @p0 $0xFFFFE000;
	s9 =	simm.s32 @p0 $0xC400  }
0x28: {  	[tilespmem:s9], [sflag:$0x4] =	stream.indirect.gather @p0 [hbm4b:s5+s7], $0x40, s31, s7, $0xb8;
	[tilespmem:$0x16400] =	vst v63  }
0x29: {  	s9 =	simm.s32 @p0 $0xD  }
0x2a: {  	_ =	swait.ge @p0 [sflag:s9], $0x2000  }
0x2b: {  	[sflag:s9] =	ssyncset.done @p0 $0x0  }
0x2c: {  	s30 =	sor.u32 @p0 $0x200, s6;
	[sflag:s9] =	ssyncadd.s32 @p0 $0xFFFFE000;
	s9 =	simm.s32 @p0 $0xE400  }
0x2d: {  	[tilespmem:s9], [sflag:$0x5] =	stream.indirect.gather @p0 [hbm4b:s5+s7], $0x40, s30, s7, $0xb8;
	[tilespmem:$0x16400] =	vst v63  }
0x2e: {  	s9 =	simm.s32 @p0 $0xE  }
0x2f: {  	_ =	swait.ge @p0 [sflag:s9], $0x2000  }
0x30: {  	[sflag:s9] =	ssyncset.done @p0 $0x0  }
0x31: {  	s29 =	sor.u32 @p0 $0x280, s6;
	[sflag:s9] =	ssyncadd.s32 @p0 $0xFFFFE000;
	s9 =	simm.s32 @p0 $0x10400  }
0x32: {  	[tilespmem:s9], [sflag:$0x6] =	stream.indirect.gather @p0 [hbm4b:s5+s7], $0x40, s29, s7, $0xb8;
	[tilespmem:$0x16400] =	vst v63  }
0x33: {  	s9 =	simm.s32 @p0 $0xF  }
0x34: {  	_ =	swait.ge @p0 [sflag:s9], $0x2000  }
0x35: {  	[sflag:s9] =	ssyncset.done @p0 $0x0  }
0x36: {  	s28 =	sor.u32 @p0 $0x300, s6;
	[sflag:s9] =	ssyncadd.s32 @p0 $0xFFFFE000;
	s9 =	simm.s32 @p0 $0x12400  }
0x37: {  	[tilespmem:s9], [sflag:$0x7] =	stream.indirect.gather @p0 [hbm4b:s5+s7], $0x40, s28, s7, $0xb8;
	[tilespmem:$0x16400] =	vst v63  }
0x38: {  	s7 =	simm.s32 @p0 $0x10  }
0x39: {  	_ =	swait.ge @p0 [sflag:s7], $0x2000  }
0x3a: {  	s26 =	simm.s32 @!p0 $0x6400;
	[sflag:s7] =	ssyncset.done @p0 $0x0  }
0x3b: {  	s9 =	simm.s32 @!p0 $0x0;
	[sflag:s7] =	ssyncadd.s32 @p0 $0xFFFFE000;
	s7 =	simm.s32 @!p0 $0x80  }
0x3c: {  	[tilespmem:s26], [sflag:$0x1] =	stream.indirect.gather @!p0 [hbm4b:s5+s7], $0x40, s9, s7, $0xb8;
	[tilespmem:$0x16400] =	vst v63  }
0x3d: {  	s9 =	simm.s32 @!p0 $0x8400  }
0x3e: {  	[tilespmem:s9], [sflag:$0x2] =	stream.indirect.gather @!p0 [hbm4b:s5+s7], $0x40, s7, s7, $0xb8;
	[tilespmem:$0x16400] =	vst v63  }
0x3f: {  	s26 =	simm.s32 @!p0 $0xA400;
	s9 =	simm.s32 @!p0 $0x100  }
0x40: {  	[tilespmem:s26], [sflag:$0x3] =	stream.indirect.gather @!p0 [hbm4b:s5+s7], $0x40, s9, s7, $0xb8;
	[tilespmem:$0x16400] =	vst v63  }
0x41: {  	s9 =	simm.s32 @!p0 $0x180;
	s26 =	simm.s32 @!p0 $0xC400  }
0x42: {  	[tilespmem:s26], [sflag:$0x4] =	stream.indirect.gather @!p0 [hbm4b:s5+s7], $0x40, s9, s7, $0xb8;
	[tilespmem:$0x16400] =	vst v63  }
0x43: {  	s9 =	simm.s32 @!p0 $0x200;
	s26 =	simm.s32 @!p0 $0xE400  }
0x44: {  	[tilespmem:s26], [sflag:$0x5] =	stream.indirect.gather @!p0 [hbm4b:s5+s7], $0x40, s9, s7, $0xb8;
	[tilespmem:$0x16400] =	vst v63  }
0x45: {  	s9 =	simm.s32 @!p0 $0x280;
	s26 =	simm.s32 @!p0 $0x10400  }
0x46: {  	[tilespmem:s26], [sflag:$0x6] =	stream.indirect.gather @!p0 [hbm4b:s5+s7], $0x40, s9, s7, $0xb8;
	[tilespmem:$0x16400] =	vst v63  }
0x47: {  	s6 =	simm.s32 @!p0 $0x0;
	s9 =	simm.s32 @!p0 $0x300;
	s26 =	simm.s32 @!p0 $0x12400  }
0x48: {  	[tilespmem:s26], [sflag:$0x7] =	stream.indirect.gather @!p0 [hbm4b:s5+s7], $0x40, s9, s7, $0xb8;
	[tilespmem:$0x16400] =	vst v63  }
0x49: {  	s12 =	simm.s32 $0x80;
	s26 =	sor.u32 $0x380, s6  }
0x4a: {  	[tilespmem:s10], [sflag:$0x8] =	stream.indirect.gather [hbm4b:s5+s12], $0x40, s26, s12, $0xb8;
	[tilespmem:$0x16400] =	vst v63  }
0x4b: {  	_ =	swait.ge [sflag:s11], $0x2000  }
0x4c: {  	[sflag:s11] =	ssyncset.done $0x0  }
0x4d: {  	s7 =	simm.s32 $0x0;
	[sflag:s11] =	ssyncadd.s32 $0xFFFFE000  }
0x4e: {  	s0 =	simm.s32 @!p0 $0x80;
	v0 =	vld [tilespmem:s7+$0x6400]  }
0x4f: {  	s1 =	simm.s32 @!p0 $0x100;
	s31 =	simm.s32 @!p0 $0x180;
	s30 =	simm.s32 @!p0 $0x200;
	v1 =	vld [tilespmem:s7+$0x6410]  }
0x50: {  	s29 =	simm.s32 @!p0 $0x280;
	s28 =	simm.s32 @!p0 $0x300;
	s9 =	simm.s32 $0x100;
	v2 =	vld [tilespmem:s7+$0x6420]  }
.LBB2_3:
0x51: {  	p0 =	sne.s32 s9, $0x7F00;
	v3 =	vld [tilespmem:s7+$0x6430];
	_ =	sdelay $0x1  }
0x52: {  	v0 =	vmul.f32 $8.000000000e+00, v0  }
.Ltmp0:
0x53: {  	v1 =	vmul.f32 $8.000000000e+00, v1;
	(pc) =	sbr.rel @p0 .LBB2_3-.Ltmp0, $4  }
0x54: {  	s12 =	sshra.s32 s9, $0x2;
	[tilespmem:s7+$0x6400] =	vst v0;
	v2 =	vmul.f32 $8.000000000e+00, v2  }
0x55: {  	v0 =	vld [tilespmem:s12+$0x6400];
	[tilespmem:s7+$0x6410] =	vst v1;
	v3 =	vmul.f32 $8.000000000e+00, v3  }
0x56: {  	v1 =	vld [tilespmem:s12+$0x6410];
	[tilespmem:s7+$0x6420] =	vst v2  }
0x57: {  	s9 =	sadd.s32 $0x100, s9;
	v2 =	vld [tilespmem:s12+$0x6420];
	[tilespmem:s7+$0x6430] =	vst v3;
	s7 =	smov.u32 s12  }
0x58: {  	v3 =	vld [tilespmem:s7+$0x6430];
	_ =	sdelay $0x1  }
0x59: {  	v0 =	vmul.f32 $8.000000000e+00, v0  }
0x5a: {  	v1 =	vmul.f32 $8.000000000e+00, v1  }
0x5b: {  	s6 =	sadd.s32 s3, s6;
	[tilespmem:s7+$0x6400] =	vst v0;
	v0 =	vmul.f32 $8.000000000e+00, v2  }
0x5c: {  	s6 =	sshll.u32 s6, $0x3;
	[tilespmem:s7+$0x6410] =	vst v1;
	v1 =	vmul.f32 $8.000000000e+00, v3  }
0x5d: {  	s6 =	sand.u32 $0x1FFFE000, s6;
	[tilespmem:s7+$0x6420] =	vst v0  }
0x5e: {  	s12 =	simm.s32 $0x0;
	s9 =	simm.s32 $0x6400;
	s6 =	sadd.s32 s2, s6;
	[tilespmem:s7+$0x6430] =	vst v1  }
0x5f: {  	[hbm4b:s6+s12] =	stream.linear.scatter [tilespmem:s9], [sflag:$0x9], $0x2000, $0x38;
	[tilespmem:$0x16400] =	vst v63  }
0x60: {  	_ =	swait.ge [sflag:s13], $0x2000  }
0x61: {  	[sflag:s13] =	ssyncset.done $0x0  }
0x62: {  	s6 =	simm.s32 $0x0;
	[sflag:s13] =	ssyncadd.s32 $0xFFFFE000  }
0x63: {  	v0 =	vld [tilespmem:s6+$0x8400]  }
0x64: {  	v2 =	vld [tilespmem:s6+$0x8410]  }
0x65: {  	s7 =	simm.s32 $0x100;
	v1 =	vld [tilespmem:s6+$0x8420]  }
.LBB2_5:
0x66: {  	p0 =	sne.s32 s7, $0x7F00;
	v3 =	vld [tilespmem:s6+$0x8430];
	_ =	sdelay $0x1  }
0x67: {  	v0 =	vmul.f32 $8.000000000e+00, v0  }
.Ltmp1:
0x68: {  	v2 =	vmul.f32 $8.000000000e+00, v2;
	(pc) =	sbr.rel @p0 .LBB2_5-.Ltmp1, $4  }
0x69: {  	s9 =	sshra.s32 s7, $0x2;
	[tilespmem:s6+$0x8400] =	vst v0;
	v1 =	vmul.f32 $8.000000000e+00, v1  }
0x6a: {  	v0 =	vld [tilespmem:s9+$0x8400];
	[tilespmem:s6+$0x8410] =	vst v2;
	v3 =	vmul.f32 $8.000000000e+00, v3  }
0x6b: {  	v2 =	vld [tilespmem:s9+$0x8410];
	[tilespmem:s6+$0x8420] =	vst v1  }
0x6c: {  	s7 =	sadd.s32 $0x100, s7;
	v1 =	vld [tilespmem:s9+$0x8420];
	[tilespmem:s6+$0x8430] =	vst v3;
	s6 =	smov.u32 s9  }
0x6d: {  	v3 =	vld [tilespmem:s6+$0x8430];
	_ =	sdelay $0x1  }
0x6e: {  	v0 =	vmul.f32 $8.000000000e+00, v0  }
0x6f: {  	v2 =	vmul.f32 $8.000000000e+00, v2  }
0x70: {  	s0 =	sadd.s32 s3, s0;
	[tilespmem:s6+$0x8400] =	vst v0;
	v0 =	vmul.f32 $8.000000000e+00, v1  }
0x71: {  	s0 =	sshll.u32 s0, $0x3;
	[tilespmem:s6+$0x8410] =	vst v2;
	v1 =	vmul.f32 $8.000000000e+00, v3  }
0x72: {  	s0 =	sand.u32 $0x1FFFE400, s0;
	[tilespmem:s6+$0x8420] =	vst v0  }
0x73: {  	s12 =	simm.s32 $0x0;
	s0 =	sadd.s32 s2, s0;
	[tilespmem:s6+$0x8430] =	vst v1  }
0x74: {  	[hbm4b:s0+s12] =	stream.linear.scatter [tilespmem:s14], [sflag:$0xA], $0x2000, $0x38;
	[tilespmem:$0x16400] =	vst v63  }
0x75: {  	_ =	swait.ge [sflag:s15], $0x2000  }
0x76: {  	[sflag:s15] =	ssyncset.done $0x0  }
0x77: {  	s0 =	simm.s32 $0x0;
	[sflag:s15] =	ssyncadd.s32 $0xFFFFE000  }
0x78: {  	v0 =	vld [tilespmem:s0+$0xA400]  }
0x79: {  	v2 =	vld [tilespmem:s0+$0xA410]  }
0x7a: {  	s6 =	simm.s32 $0x100;
	v1 =	vld [tilespmem:s0+$0xA420]  }
.LBB2_7:
0x7b: {  	p0 =	sne.s32 s6, $0x7F00;
	v3 =	vld [tilespmem:s0+$0xA430];
	_ =	sdelay $0x1  }
0x7c: {  	v0 =	vmul.f32 $8.000000000e+00, v0  }
.Ltmp2:
0x7d: {  	v2 =	vmul.f32 $8.000000000e+00, v2;
	(pc) =	sbr.rel @p0 .LBB2_7-.Ltmp2, $4  }
0x7e: {  	s7 =	sshra.s32 s6, $0x2;
	[tilespmem:s0+$0xA400] =	vst v0;
	v1 =	vmul.f32 $8.000000000e+00, v1  }
0x7f: {  	v0 =	vld [tilespmem:s7+$0xA400];
	[tilespmem:s0+$0xA410] =	vst v2;
	v3 =	vmul.f32 $8.000000000e+00, v3  }
0x80: {  	v2 =	vld [tilespmem:s7+$0xA410];
	[tilespmem:s0+$0xA420] =	vst v1  }
0x81: {  	s6 =	sadd.s32 $0x100, s6;
	v1 =	vld [tilespmem:s7+$0xA420];
	[tilespmem:s0+$0xA430] =	vst v3;
	s0 =	smov.u32 s7  }
0x82: {  	v3 =	vld [tilespmem:s0+$0xA430];
	_ =	sdelay $0x1  }
0x83: {  	v0 =	vmul.f32 $8.000000000e+00, v0  }
0x84: {  	v2 =	vmul.f32 $8.000000000e+00, v2  }
0x85: {  	s1 =	sadd.s32 s3, s1;
	[tilespmem:s0+$0xA400] =	vst v0;
	v0 =	vmul.f32 $8.000000000e+00, v1  }
0x86: {  	s1 =	sshll.u32 s1, $0x3;
	[tilespmem:s0+$0xA410] =	vst v2;
	v1 =	vmul.f32 $8.000000000e+00, v3  }
0x87: {  	s1 =	sand.u32 $0x1FFFE800, s1;
	[tilespmem:s0+$0xA420] =	vst v0  }
0x88: {  	s12 =	simm.s32 $0x0;
	s9 =	sadd.s32 s2, s1;
	[tilespmem:s0+$0xA430] =	vst v1  }
0x89: {  	[hbm4b:s9+s12] =	stream.linear.scatter [tilespmem:s16], [sflag:$0xB], $0x2000, $0x38;
	[tilespmem:$0x16400] =	vst v63  }
0x8a: {  	_ =	swait.ge [sflag:s17], $0x2000  }
0x8b: {  	[sflag:s17] =	ssyncset.done $0x0  }
0x8c: {  	s0 =	simm.s32 $0x0;
	[sflag:s17] =	ssyncadd.s32 $0xFFFFE000  }
0x8d: {  	v0 =	vld [tilespmem:s0+$0xC400]  }
0x8e: {  	v2 =	vld [tilespmem:s0+$0xC410]  }
0x8f: {  	s1 =	simm.s32 $0x100;
	v1 =	vld [tilespmem:s0+$0xC420]  }
.LBB2_9:
0x90: {  	p0 =	sne.s32 s1, $0x7F00;
	v3 =	vld [tilespmem:s0+$0xC430];
	_ =	sdelay $0x1  }
0x91: {  	v0 =	vmul.f32 $8.000000000e+00, v0  }
.Ltmp3:
0x92: {  	v2 =	vmul.f32 $8.000000000e+00, v2;
	(pc) =	sbr.rel @p0 .LBB2_9-.Ltmp3, $4  }
0x93: {  	s6 =	sshra.s32 s1, $0x2;
	[tilespmem:s0+$0xC400] =	vst v0;
	v1 =	vmul.f32 $8.000000000e+00, v1  }
0x94: {  	v0 =	vld [tilespmem:s6+$0xC400];
	[tilespmem:s0+$0xC410] =	vst v2;
	v3 =	vmul.f32 $8.000000000e+00, v3  }
0x95: {  	v2 =	vld [tilespmem:s6+$0xC410];
	[tilespmem:s0+$0xC420] =	vst v1  }
0x96: {  	s1 =	sadd.s32 $0x100, s1;
	v1 =	vld [tilespmem:s6+$0xC420];
	[tilespmem:s0+$0xC430] =	vst v3;
	s0 =	smov.u32 s6  }
0x97: {  	v3 =	vld [tilespmem:s0+$0xC430];
	_ =	sdelay $0x1  }
0x98: {  	v0 =	vmul.f32 $8.000000000e+00, v0  }
0x99: {  	v2 =	vmul.f32 $8.000000000e+00, v2  }
0x9a: {  	s1 =	sadd.s32 s3, s31;
	[tilespmem:s0+$0xC400] =	vst v0;
	v0 =	vmul.f32 $8.000000000e+00, v1  }
0x9b: {  	s1 =	sshll.u32 s1, $0x3;
	[tilespmem:s0+$0xC410] =	vst v2;
	v1 =	vmul.f32 $8.000000000e+00, v3  }
0x9c: {  	s1 =	sand.u32 $0x1FFFEC00, s1;
	[tilespmem:s0+$0xC420] =	vst v0  }
0x9d: {  	s31 =	simm.s32 $0x0;
	s12 =	sadd.s32 s2, s1;
	[tilespmem:s0+$0xC430] =	vst v1  }
0x9e: {  	[hbm4b:s12+s31] =	stream.linear.scatter [tilespmem:s18], [sflag:$0xC], $0x2000, $0x38;
	[tilespmem:$0x16400] =	vst v63  }
0x9f: {  	_ =	swait.ge [sflag:s19], $0x2000  }
0xa0: {  	[sflag:s19] =	ssyncset.done $0x0  }
0xa1: {  	s0 =	simm.s32 $0x0;
	[sflag:s19] =	ssyncadd.s32 $0xFFFFE000  }
0xa2: {  	v0 =	vld [tilespmem:s0+$0xE400]  }
0xa3: {  	v2 =	vld [tilespmem:s0+$0xE410]  }
0xa4: {  	s1 =	simm.s32 $0x100;
	v1 =	vld [tilespmem:s0+$0xE420]  }
.LBB2_11:
0xa5: {  	p0 =	sne.s32 s1, $0x7F00;
	v3 =	vld [tilespmem:s0+$0xE430];
	_ =	sdelay $0x1  }
0xa6: {  	v0 =	vmul.f32 $8.000000000e+00, v0  }
.Ltmp4:
0xa7: {  	v2 =	vmul.f32 $8.000000000e+00, v2;
	(pc) =	sbr.rel @p0 .LBB2_11-.Ltmp4, $4  }
0xa8: {  	s6 =	sshra.s32 s1, $0x2;
	[tilespmem:s0+$0xE400] =	vst v0;
	v1 =	vmul.f32 $8.000000000e+00, v1  }
0xa9: {  	v0 =	vld [tilespmem:s6+$0xE400];
	[tilespmem:s0+$0xE410] =	vst v2;
	v3 =	vmul.f32 $8.000000000e+00, v3  }
0xaa: {  	v2 =	vld [tilespmem:s6+$0xE410];
	[tilespmem:s0+$0xE420] =	vst v1  }
0xab: {  	s1 =	sadd.s32 $0x100, s1;
	v1 =	vld [tilespmem:s6+$0xE420];
	[tilespmem:s0+$0xE430] =	vst v3;
	s0 =	smov.u32 s6  }
0xac: {  	v3 =	vld [tilespmem:s0+$0xE430];
	_ =	sdelay $0x1  }
0xad: {  	v0 =	vmul.f32 $8.000000000e+00, v0  }
0xae: {  	v2 =	vmul.f32 $8.000000000e+00, v2  }
0xaf: {  	s1 =	sadd.s32 s3, s30;
	[tilespmem:s0+$0xE400] =	vst v0;
	v0 =	vmul.f32 $8.000000000e+00, v1  }
0xb0: {  	s1 =	sshll.u32 s1, $0x3;
	[tilespmem:s0+$0xE410] =	vst v2;
	v1 =	vmul.f32 $8.000000000e+00, v3  }
0xb1: {  	s1 =	sand.u32 $0x1FFFF000, s1;
	[tilespmem:s0+$0xE420] =	vst v0  }
0xb2: {  	s31 =	simm.s32 $0x0;
	s30 =	sadd.s32 s2, s1;
	[tilespmem:s0+$0xE430] =	vst v1  }
0xb3: {  	[hbm4b:s30+s31] =	stream.linear.scatter [tilespmem:s20], [sflag:$0xD], $0x2000, $0x38;
	[tilespmem:$0x16400] =	vst v63  }
0xb4: {  	_ =	swait.ge [sflag:s21], $0x2000  }
0xb5: {  	[sflag:s21] =	ssyncset.done $0x0  }
0xb6: {  	s0 =	simm.s32 $0x0;
	[sflag:s21] =	ssyncadd.s32 $0xFFFFE000  }
0xb7: {  	v0 =	vld [tilespmem:s0+$0x10400]  }
0xb8: {  	v2 =	vld [tilespmem:s0+$0x10410]  }
0xb9: {  	s1 =	simm.s32 $0x100;
	v1 =	vld [tilespmem:s0+$0x10420]  }
.LBB2_13:
0xba: {  	p0 =	sne.s32 s1, $0x7F00;
	v3 =	vld [tilespmem:s0+$0x10430];
	_ =	sdelay $0x1  }
0xbb: {  	v0 =	vmul.f32 $8.000000000e+00, v0  }
.Ltmp5:
0xbc: {  	v2 =	vmul.f32 $8.000000000e+00, v2;
	(pc) =	sbr.rel @p0 .LBB2_13-.Ltmp5, $4  }
0xbd: {  	s6 =	sshra.s32 s1, $0x2;
	[tilespmem:s0+$0x10400] =	vst v0;
	v1 =	vmul.f32 $8.000000000e+00, v1  }
0xbe: {  	v0 =	vld [tilespmem:s6+$0x10400];
	[tilespmem:s0+$0x10410] =	vst v2;
	v3 =	vmul.f32 $8.000000000e+00, v3  }
0xbf: {  	v2 =	vld [tilespmem:s6+$0x10410];
	[tilespmem:s0+$0x10420] =	vst v1  }
0xc0: {  	s1 =	sadd.s32 $0x100, s1;
	v1 =	vld [tilespmem:s6+$0x10420];
	[tilespmem:s0+$0x10430] =	vst v3;
	s0 =	smov.u32 s6  }
0xc1: {  	v3 =	vld [tilespmem:s0+$0x10430];
	_ =	sdelay $0x1  }
0xc2: {  	v0 =	vmul.f32 $8.000000000e+00, v0  }
0xc3: {  	v2 =	vmul.f32 $8.000000000e+00, v2  }
0xc4: {  	s1 =	sadd.s32 s3, s29;
	[tilespmem:s0+$0x10400] =	vst v0;
	v0 =	vmul.f32 $8.000000000e+00, v1  }
0xc5: {  	s1 =	sshll.u32 s1, $0x3;
	[tilespmem:s0+$0x10410] =	vst v2;
	v1 =	vmul.f32 $8.000000000e+00, v3  }
0xc6: {  	s1 =	sand.u32 $0x1FFFF400, s1;
	[tilespmem:s0+$0x10420] =	vst v0  }
0xc7: {  	s31 =	simm.s32 $0x0;
	s30 =	sadd.s32 s2, s1;
	[tilespmem:s0+$0x10430] =	vst v1  }
0xc8: {  	[hbm4b:s30+s31] =	stream.linear.scatter [tilespmem:s22], [sflag:$0xE], $0x2000, $0x38;
	[tilespmem:$0x16400] =	vst v63  }
0xc9: {  	_ =	swait.ge [sflag:s23], $0x2000  }
0xca: {  	[sflag:s23] =	ssyncset.done $0x0  }
0xcb: {  	s0 =	simm.s32 $0x0;
	[sflag:s23] =	ssyncadd.s32 $0xFFFFE000  }
0xcc: {  	v0 =	vld [tilespmem:s0+$0x12400]  }
0xcd: {  	v2 =	vld [tilespmem:s0+$0x12410]  }
0xce: {  	s1 =	simm.s32 $0x100;
	v1 =	vld [tilespmem:s0+$0x12420]  }
.LBB2_15:
0xcf: {  	p0 =	sne.s32 s1, $0x7F00;
	v3 =	vld [tilespmem:s0+$0x12430];
	_ =	sdelay $0x1  }
0xd0: {  	v0 =	vmul.f32 $8.000000000e+00, v0  }
.Ltmp6:
0xd1: {  	v2 =	vmul.f32 $8.000000000e+00, v2;
	(pc) =	sbr.rel @p0 .LBB2_15-.Ltmp6, $4  }
0xd2: {  	s6 =	sshra.s32 s1, $0x2;
	[tilespmem:s0+$0x12400] =	vst v0;
	v1 =	vmul.f32 $8.000000000e+00, v1  }
0xd3: {  	v0 =	vld [tilespmem:s6+$0x12400];
	[tilespmem:s0+$0x12410] =	vst v2;
	v3 =	vmul.f32 $8.000000000e+00, v3  }
0xd4: {  	v2 =	vld [tilespmem:s6+$0x12410];
	[tilespmem:s0+$0x12420] =	vst v1  }
0xd5: {  	s1 =	sadd.s32 $0x100, s1;
	v1 =	vld [tilespmem:s6+$0x12420];
	[tilespmem:s0+$0x12430] =	vst v3;
	s0 =	smov.u32 s6  }
0xd6: {  	v3 =	vld [tilespmem:s0+$0x12430];
	_ =	sdelay $0x1  }
0xd7: {  	v0 =	vmul.f32 $8.000000000e+00, v0  }
0xd8: {  	v2 =	vmul.f32 $8.000000000e+00, v2  }
0xd9: {  	s1 =	sadd.s32 s3, s28;
	[tilespmem:s0+$0x12400] =	vst v0;
	v0 =	vmul.f32 $8.000000000e+00, v1  }
0xda: {  	s1 =	sshll.u32 s1, $0x3;
	[tilespmem:s0+$0x12410] =	vst v2;
	v1 =	vmul.f32 $8.000000000e+00, v3  }
0xdb: {  	s1 =	sand.u32 $0x1FFFF800, s1;
	[tilespmem:s0+$0x12420] =	vst v0  }
0xdc: {  	s31 =	simm.s32 $0x0;
	s30 =	sadd.s32 s2, s1;
	[tilespmem:s0+$0x12430] =	vst v1  }
0xdd: {  	[hbm4b:s30+s31] =	stream.linear.scatter [tilespmem:s24], [sflag:$0xF], $0x2000, $0x38;
	[tilespmem:$0x16400] =	vst v63  }
0xde: {  	_ =	swait.ge [sflag:s25], $0x2000  }
0xdf: {  	[sflag:s25] =	ssyncset.done $0x0  }
0xe0: {  	s0 =	simm.s32 $0x0;
	[sflag:s25] =	ssyncadd.s32 $0xFFFFE000  }
0xe1: {  	v0 =	vld [tilespmem:s0+$0x14400]  }
0xe2: {  	v2 =	vld [tilespmem:s0+$0x14410]  }
0xe3: {  	s1 =	simm.s32 $0x100;
	v1 =	vld [tilespmem:s0+$0x14420]  }
.LBB2_17:
0xe4: {  	p0 =	sne.s32 s1, $0x7F00;
	v3 =	vld [tilespmem:s0+$0x14430];
	_ =	sdelay $0x1  }
0xe5: {  	v0 =	vmul.f32 $8.000000000e+00, v0  }
.Ltmp7:
0xe6: {  	v2 =	vmul.f32 $8.000000000e+00, v2;
	(pc) =	sbr.rel @p0 .LBB2_17-.Ltmp7, $4  }
0xe7: {  	s6 =	sshra.s32 s1, $0x2;
	[tilespmem:s0+$0x14400] =	vst v0;
	v1 =	vmul.f32 $8.000000000e+00, v1  }
0xe8: {  	v0 =	vld [tilespmem:s6+$0x14400];
	[tilespmem:s0+$0x14410] =	vst v2;
	v3 =	vmul.f32 $8.000000000e+00, v3  }
0xe9: {  	v2 =	vld [tilespmem:s6+$0x14410];
	[tilespmem:s0+$0x14420] =	vst v1  }
0xea: {  	s1 =	sadd.s32 $0x100, s1;
	v1 =	vld [tilespmem:s6+$0x14420];
	[tilespmem:s0+$0x14430] =	vst v3;
	s0 =	smov.u32 s6  }
0xeb: {  	v3 =	vld [tilespmem:s0+$0x14430];
	_ =	sdelay $0x1  }
0xec: {  	s8 =	sadd.s32 $0x1, s8;
	v0 =	vmul.f32 $8.000000000e+00, v0  }
0xed: {  	p0 =	sne.s32 s8, $0x19;
	v2 =	vmul.f32 $8.000000000e+00, v2  }
.Ltmp8:
0xee: {  	s1 =	sadd.s32 s3, s26;
	[tilespmem:s0+$0x14400] =	vst v0;
	v62 =	vmul.f32 $8.000000000e+00, v1;
	(pc) =	sbr.rel @p0 .LBB2_2-.Ltmp8, $4  }
0xef: {  	s1 =	sshll.u32 s1, $0x3;
	[tilespmem:s0+$0x14410] =	vst v2;
	v63 =	vmul.f32 $8.000000000e+00, v3  }
0xf0: {  	s1 =	sand.u32 $0x1FFFFC00, s1;
	[tilespmem:s0+$0x14420] =	vst v62  }
0xf1: {  	s31 =	sadd.s32 s2, s1;
	[tilespmem:s0+$0x14430] =	vst v63  }
0xf2: {  	[hbm4b:s31+s4] =	stream.linear.scatter [tilespmem:s10], [sflag:$0x10], $0x2000, $0x38;
	[tilespmem:$0x16400] =	vst v63  }
0xf3: {  	s0 =	simm.s32 $0x9  }
0xf4: {  	_ =	swait.ge [sflag:s0], $0x2000  }
0xf5: {  	[sflag:s0] =	ssyncset.done $0x0  }
0xf6: {  	s9 =	simm.s32 $0xA;
	[sflag:s0] =	ssyncadd.s32 $0xFFFFE000  }
0xf7: {  	_ =	swait.ge [sflag:s9], $0x2000  }
0xf8: {  	[sflag:s9] =	ssyncset.done $0x0  }
0xf9: {  	s12 =	simm.s32 $0xB;
	[sflag:s9] =	ssyncadd.s32 $0xFFFFE000  }
0xfa: {  	_ =	swait.ge [sflag:s12], $0x2000  }
0xfb: {  	[sflag:s12] =	ssyncset.done $0x0  }
0xfc: {  	s26 =	simm.s32 $0xC;
	[sflag:s12] =	ssyncadd.s32 $0xFFFFE000  }
0xfd: {  	_ =	swait.ge [sflag:s26], $0x2000  }
0xfe: {  	[sflag:s26] =	ssyncset.done $0x0  }
0xff: {  	s28 =	simm.s32 $0xD;
	[sflag:s26] =	ssyncadd.s32 $0xFFFFE000  }
0x100: {  	_ =	swait.ge [sflag:s28], $0x2000  }
0x101: {  	[sflag:s28] =	ssyncset.done $0x0  }
0x102: {  	s29 =	simm.s32 $0xE;
	[sflag:s28] =	ssyncadd.s32 $0xFFFFE000  }
0x103: {  	_ =	swait.ge [sflag:s29], $0x2000  }
0x104: {  	[sflag:s29] =	ssyncset.done $0x0  }
0x105: {  	s30 =	simm.s32 $0xF;
	[sflag:s29] =	ssyncadd.s32 $0xFFFFE000  }
0x106: {  	_ =	swait.ge [sflag:s30], $0x2000  }
0x107: {  	[sflag:s30] =	ssyncset.done $0x0  }
0x108: {  	s1 =	simm.s32 $0x10;
	[sflag:s30] =	ssyncadd.s32 $0xFFFFE000  }
0x109: {  	_ =	swait.ge [sflag:s1], $0x2000  }
0x10a: {  	s6 =	rddreg [dreg:$0x5]  }
0x10b: {  	s31 =	rddreg [dreg:$0x4];
	s6 =	sadd.s32 $0x1, s6  }
0x10c: {  	p0 =	sne.s32 s6, s31  }
.Ltmp9:
0x10d: {  	_ = 	snop;
	(pc) =	sbr.rel @p0 .LBB2_1-.Ltmp9, $3  }
0x10e: {  	_ =	sdelay $0x1  }
0x10f: {  	[sflag:s1] =	ssyncset.done $0x0  }
0x110: {  	[sflag:s1] =	ssyncadd.s32 $0xFFFFE000  }
0x111: {  	_ =	sfence.sel $0x180000  }
0x112: {  	[bflag:$0x0] =	sbarrier.arrive $0xFFFF  }
0x113: {  	_ =	strace $0x90000047  }
0x114: {  	s0 =	stileid.u32;
	[bflag:$0x2] =	sbarrier.arrive $0xFFFF  }
0x115: {  	p0 =	sne.s32 s0, $0x0;
	s0 =	rddreg [dreg:$0x2]  }
0x116: {  	s0 =	sadd.s32 @!p0 $0x100000, s0  }
0x117: {  	[sflag:s0] =	ssyncadd.tile.s32 @!p0 $0x1;
	_ =	shalt  }
.Lfunc_end2:
_tile_overlayer_lowered:
.L_overlay_start_2:
0x118: {  	(tag) =	ssettag $0x2  }
0x119: {  	s0 =	rddreg [dreg:$0x0];
	s2 =	stileid.u32  }
0x11a: {  	s1 =	rddreg [dreg:$0x1];
	p0 =	sne.s32 s2, $0x0  }
0x11b: {  	s3 =	rddreg [dreg:$0x2];
	[bflag:$0x3] =	sbarrier.arrive $0xFFFF;
	s2 =	simm.s32 @!p0 $0x1C11  }
0x11c: {  	[timem:s3], [sflag:s2] =	dma.local @!p0 [hbm:s0], s1  }
0x11d: {  	s0 =	simm.s32 @!p0 $0x11  }
0x11e: {  	_ =	swait.ge @!p0 [sflag:s0], s1  }
0x11f: {  	s1 =	ssub.s32 @!p0 $0x0, s1;
	[sflag:s0] =	ssyncset.done @!p0 $0x0  }
0x120: {  	[sflag:s0] =	ssyncadd.s32 @!p0 s1  }
0x121: {  	[bflag:$0x3] =	sbarrier.arrive $0xFFFF  }
0x122: {  	_ =	shalt  }

// kernel: sparse-core-data-format-call.cloned.1.call-start
scs
called_computation_lowered:
.L_overlay_start_0:
0x0: {  	s2 =	sld [smem:$0x3FD9]  }
0x1: {  	s3 =	sld [smem:$0x3FFE];
	_ =	sdelay $0x1  }
0x2: {  	s1 =	srdreg.scid  }
0x3: {  	s0 =	sand.u32 $0x1, s1  }
0x4: {  	s18 =	sshll.u32 s0, $0xA;
	s2 =	sadd.s32 s3, s2  }
0x5: {  	s2 =	sadd.s32 s2, s18  }
0x6: {  	[smem:$0x3FC6] =	sst s2  }
0x7: {  	_ = 	snop  }
0x8: {  	s2 =	sld [smem:$0x3FD0];
	(tm) =	ssettm $0x1  }
0x9: {  	s19 =	sld [smem:$0x3FFB];
	_ =	sdelay $0x3  }
0xa: {  	_ =	strace s19  }
0xb: {  	s3 =	sld [smem:$0x3FFC];
	_ =	sdelay $0x3  }
0xc: {  	_ =	strace s3  }
0xd: {  	s3 =	sld [smem:$0x3FFD];
	_ =	sdelay $0x3  }
0xe: {  	_ =	strace s3  }
0xf: {  	_ =	strace $0x8FFFFFFF  }
0x10: {  	s20 =	sld [smem:$0x3FDB];
	_ =	sdelay $0x1  }
0x11: {  	s4 =	simm.s32 $_scs_section_size  }
0x12: {  	s5 =	simm.s32 $_size__tile_overlayer_lowered;
	s6 =	simm.s32 $_tile_overlayer_lowered  }
0x13: {  	s23 =	simm.s32 $0x1BFF;
	s22 =	sshll.u32 s6, $0x1;
	s3 =	sadd.s32 s4, s20  }
0x14: {  	s7 =	simm.s32 $0x0;
	s21 =	sshll.u32 s5, $0x1;
	s5 =	sadd.s32 s22, s3  }
0x15: {  	[timem:s7], [sflag:s23] =	dma.local [hbm:s5], s21  }
0x16: {  	_ =	swait.ge [sflag:s23], s21  }
0x17: {  	s4 =	ssub.s32 $0x0, s21;
	[sflag:s23] =	ssyncset.done $0x0  }
0x18: {  	[sflag:s23] =	ssyncadd.s32 s4;
	_ =	sdelay $0x1  }
0x19: {  	s24 =	simm.s32 $0x1B8B  }
0x1a: {  	_ =	swait.ge [sflag:s24], $0x1  }
0x1b: {  	[sflag:s24] =	ssyncset.done $0x0  }
0x1c: {  	s26 =	simm.s32 $0x1B8E;
	s25 =	sld [smem:$0x3FFE];
	[sflag:s24] =	ssyncadd.s32 $0xFFFFFFFF  }
0x1d: {  	s27 =	simm.s32 $execute0_lowered;
	[smem:$0x3FD2] =	sst s26  }
0x1e: {  	s5 =	sshll.u32 s27, $0x1;
	_ =	strace $0x80000049;
	[dreg:$0x1] =	wrdreg $0xFFFFFFFF  }
0x1f: {  	s28 =	simm.s32 $_size_execute0_lowered;
	s3 =	sadd.s32 s3, s5;
	[dreg:$0x0] =	wrdreg $0x0  }
0x20: {  	s5 =	sshll.u32 s28, $0x1;
	[dreg:$0x2] =	wrdreg s3  }
0x21: {  	[dreg:$0x3] =	wrdreg s5  }
0x22: {  	[dreg:$0x4] =	wrdreg $0xC0  }
0x23: {  	_ =	task [dreg:s7], $0x5FFFF  }
0x24: {  	[dreg:$0x1] =	wrdreg $0xFFFFFFFF  }
0x25: {  	[dreg:$0x0] =	wrdreg $0x60  }
0x26: {  	[dreg:$0x2] =	wrdreg s25  }
0x27: {  	[dreg:$0x3] =	wrdreg s2  }
0x28: {  	[dreg:$0x4] =	wrdreg $0x9  }
0x29: {  	_ =	task.clear_ibuf [dreg:s7], $0x5FFFF;
	_ =	strace $0x90000049  }
0x2a: {  	s29 =	simm.s32 $0x9;
	_ =	strace $0x8000004B  }
0x2b: {  	_ =	swait.ge [sflag:s29], $0x1  }
0x2c: {  	[sflag:s29] =	ssyncadd.s32 $0xFFFFFFFF  }
0x2d: {  	_ =	strace $0x9000004B  }
0x2e: {  	_ =	sfence  }
0x2f: {  	s30 =	sld [smem:$0x0];
	_ =	sdelay $0x2  }
0x30: {  	s31 =	sshll.u32 s1, $0xD;
	s1 =	sshrl.u32 s1, $0x2  }
0x31: {  	s3 =	sand.u32 $0x4000, s31;
	s1 =	sadd.s32 s1, s30  }
0x32: {  	s0 =	sor.u32 s3, s0;
	s1 =	sshll.u32 s1, $0x11  }
0x33: {  	s0 =	sor.u32 s1, s0  }
0x34: {  	s0 =	sadd.s32 $0x8F2B, s0  }
0x35: {  	[sflag:s0] =	ssyncadd.remote.s32 $0x1  }
0x36: {  	_ =	sfence.sel $0xFFFF  }
0x37: {  	[dreg:$0x0] =	wrdreg $0xFFFFFFFF;
	(pc) =	sbr.abs _section_cstart, $3  }
0x38: {  	[dreg:$0x1] =	wrdreg $0xFFFFFFFF  }
0x39: {  	_ =	task.clear_ibuf [dreg:s7], $0x2FFFF;
	_ =	strace $0x9FFFFFFF  }
0x3a: {  	(tm) =	ssettm $0x7FFFFFFF  }
0x3b: {  	_ =	shalt  }
tec
execute0_lowered:
.L_overlay_start_1:
0x0: {  	(tag) =	ssettag $0x1  }
0x1: {  	s0 =	srdreg.scid  }
0x2: {  	s1 =	sshll.u32 s0, $0x4  }
0x3: {  	s0 =	stileid.u32;
	s1 =	sand.u32 $0x10, s1  }
0x4: {  	s1 =	sor.u32 s0, s1  }
0x5: {  	s6 =	rddreg [dreg:$0x0];
	s4 =	simm.s32 $0x1;
	s2 =	sshll.u32 s1, $0x7  }
0x6: {  	s7 =	simm.s32 $0x2;
	s12 =	simm.s32 $0x0;
	s1 =	ssub.s32 $0x1000, s2  }
0x7: {  	s8 =	simm.s32 $0x8000;
	s13 =	simm.s32 $0x0;
	s3 =	sand.u32 $0xF80, s1  }
0x8: {  	s9 =	simm.s32 $0x0;
	s5 =	sshrl.u32 s1, $0xC;
	p0 =	sne.s32 s3, $0x0  }
.Ltmp0:
0x9: {  	s1 =	rddreg [dreg:$0x2];
	s4 =	simm.s32 @!p0 $0x0;
	(pc) =	sbr.rel .LBB1_1-.Ltmp0, $4  }
0xa: {  	s11 =	simm.s32 $0x0;
	s3 =	rddreg [dreg:$0x1];
	s5 =	sadd.s32 s4, s5  }
0xb: {  	_ =	strace $0x8000004A;
	s4 =	simm.s32 $0x1;
	s5 =	smul.u32 $0xC8, s5  }
0xc: {  	s6 =	sadd.s32 $0xA00, s6;
	s10 =	smov.u32 s2;
	[sflag:s4] =	ssyncpa.u1 $0x0  }
0xd: {  	p0 =	por $0x0, $0x0;
	[sflag:s7] =	ssyncpa.u1 $0x0;
	s7 =	sor.u32 $0x1, s5  }
.LBB1_4:
0xe: {  	s16 =	sshll.u32 s13, $0x3;
	s17 =	sand.u32 $0x78, s13  }
0xf: {  	s30 =	sand.u32 $0x7E00, s13;
	s12 =	sshll.u32 s12, $0xF;
	s16 =	sand.u32 $0xC00, s16  }
0x10: {  	[tilespmem:s15+$0x810 ss:$0x81] =	vst.msk $0xffff, v2;
	s31 =	sand.u32 $0x7, s13;
	s16 =	sor.u32 s17, s16;
	s17 =	sadd.s32 s3, s30  }
0x11: {  	[tilespmem:s15+$0x1020 ss:$0x81] =	vst.msk $0xffff, v0;
	s13 =	sshll.u32 s31, $0x12;
	s12 =	sadd.s32 s12, s17;
	s16 =	sshrl.u32 s16, $0x3  }
0x12: {  	[tilespmem:s15+$0x0 ss:$0x81] =	vst.msk $0xffff, v1;
	s13 =	sor.u32 $0x400, s13;
	s12 =	sadd.s32 s16, s12  }
0x13: {  	[hbm4b:s12+s13] =	stream.strided.scatter [tilespmem:s14], [sflag:$0x2], $0x2000, s8, s13, $0x20;
	[tilespmem:$0x8080] =	vst v63  }
.LBB1_5:
0x14: {  	s14 =	sadd.s32 $0x1, s9  }
0x15: {  	s12 =	sadd.s32 $0x1000, s10;
	s16 =	smov.u32 s10;
	p2 =	sgt.s32 s14, $0xC7  }
0x16: {  	s16 =	smov.u32 @p2 s12  }
0x17: {  	s14 =	simm.s32 @p2 $0x0;
	p2 =	sgt.s32 s16, $0xFFF  }
0x18: {  	s16 =	smov.u32 @p2 s2;
	p2 =	sne.s32 s11, s7  }
.Ltmp1:
0x19: {  	p1 =	slt.u32 s11, $0x2;
	(pc) =	sbr.rel @!p2 .LBB1_6-.Ltmp1, $4  }
0x1a: {  	s15 =	simm.s32 @!p1 $0x2  }
0x1b: {  	s13 =	smov.u32 s10;
	p0 =	por !p0, !p0;
	_ =	swait.ge @!p1 [sflag:s15], $0x2000  }
0x1c: {  	s12 =	smov.u32 s9;
	[sflag:s15] =	ssyncset.done @!p1 $0x0;
	s9 =	smov.u32 s14  }
0x1d: {  	s11 =	sadd.s32 $0x1, s11;
	[sflag:s15] =	ssyncadd.s32 @!p1 $0xFFFFE000;
	s10 =	smov.u32 s16  }
.LBB1_1:
0x1e: {  	p1 =	sge.u32 s11, s5  }
0x1f: {  	s14 =	sand.u32 @!p1 $0x1FFFFFF, s9  }
0x20: {  	s15 =	smulhi.u32 @!p1 $0x147AE15, s14;
	_ =	sdelay $0x1  }
0x21: {  	s15 =	smul.u32 @!p1 $0xC8, s15  }
0x22: {  	s16 =	sxor.u32 @!p1 $0xFFFFFFFF, s11;
	s17 =	smul.u32 @!p1 $0xC80, s10  }
0x23: {  	s31 =	sadd.s32 $0xFFFFFFFF, s11;
	s16 =	sshll.u32 @!p1 s16, $0xD;
	s14 =	ssub.s32 @!p1 s14, s15  }
0x24: {  	s15 =	sand.u32 @!p1 $0x2000, s16;
	s16 =	sadd.s32 @!p1 s6, s17;
	s14 =	sshll.u32 @!p1 s14, $0x4  }
0x25: {  	s17 =	simm.s32 @!p1 $0x6400;
	s14 =	sadd.s32 @!p1 s14, s16;
	s16 =	simm.s32 @!p1 $0x40  }
0x26: {  	[tilespmem:s15], [sflag:$0x1] =	stream.strided.gather @!p1 [hbm4b:s14+s16], $0x2000, s17, s16, $0x38;
	[tilespmem:$0x8080] =	vst v63  }
0x27: {  	p1 =	sge.u32 s31, s5  }
.Ltmp2:
0x28: {  	_ = 	snop;
	(pc) =	sbr.rel @p1 .LBB1_5-.Ltmp2, $1  }
0x29: {  	_ =	sdelay $0x3  }
0x2a: {  	s14 =	simm.s32 $0x1  }
0x2b: {  	_ =	swait.ge [sflag:s4], $0x2000;
	s14 =	simm.s32 @!p0 $0x0  }
0x2c: {  	[sflag:s4] =	ssyncset.done $0x0;
	s15 =	sshll.u32 s14, $0xD  }
0x2d: {  	[sflag:s4] =	ssyncadd.s32 $0xFFFFE000;
	s18 =	sor.u32 $0x20, s15  }
0x2e: {  	s14 =	smul.u32 $0x8100, s14;
	v3 =	vld [tilespmem:s18+$0x10]  }
0x2f: {  	s30 =	sand.u32 $0x1, s11;
	v2 =	vld [tilespmem:s18+$0xFFFFFFF0]  }
0x30: {  	s15 =	smul.u32 $0x8100, s30;
	s14 =	sshrl.u32 s14, $0x2;
	v0 =	vld [tilespmem:s18+$0x0]  }
0x31: {  	v1 =	vld [tilespmem:s18+$0xFFFFFFE0];
	s16 =	sor.u32 $0x4000, s14  }
0x32: {  	s31 =	sshrl.u32 s15, $0x2;
	s15 =	sadd.s32 $0x0, s16  }
0x33: {  	s17 =	simm.s32 $0x4;
	s18 =	sadd.s32 $0x40, s18;
	s14 =	sor.u32 $0x4000, s31;
	[tilespmem:s15+$0x1830 ss:$0x81] =	vst.msk $0xffff, v3  }
.LBB1_3:
0x34: {  	v3 =	vld [tilespmem:s18+$0x10];
	p1 =	sne.s32 s17, $0x1FC;
	[tilespmem:s15+$0x810 ss:$0x81] =	vst.msk $0xffff, v2;
	s19 =	smov.u32 s17;
	s17 =	sadd.s32 $0x4, s17  }
.Ltmp3:
0x35: {  	v2 =	vld [tilespmem:s18+$0xFFFFFFF0];
	[tilespmem:s15+$0x1020 ss:$0x81] =	vst.msk $0xffff, v0;
	(pc) =	sbr.rel @p1 .LBB1_3-.Ltmp3, $4  }
0x36: {  	v0 =	vld [tilespmem:s18+$0x0];
	[tilespmem:s15+$0x0 ss:$0x81] =	vst.msk $0xffff, v1  }
0x37: {  	s15 =	sshra.s32 s19, $0x2;
	v1 =	vld [tilespmem:s18+$0xFFFFFFE0]  }
0x38: {  	s15 =	sadd.s32 s15, s16  }
0x39: {  	s18 =	sadd.s32 $0x40, s18;
	[tilespmem:s15+$0x1830 ss:$0x81] =	vst.msk $0xffff, v3  }
.Ltmp4:
0x3a: {  	_ = 	snop;
	(pc) =	sbr.rel .LBB1_4-.Ltmp4, $1  }
0x3b: {  	_ =	sdelay $0x3  }
.LBB1_6:
0x3c: {  	_ =	sfence.sel $0x180000  }
0x3d: {  	s2 =	simm.s32 $0x1;
	[bflag:$0x0] =	sbarrier.arrive $0xFFFF  }
0x3e: {  	s31 =	simm.s32 $0x2;
	[sflag:s2] =	ssyncpa.u1 $0x1  }
0x3f: {  	[sflag:s31] =	ssyncpa.u1 $0x1  }
0x40: {  	p0 =	sne.s32 s0, $0x0;
	_ =	strace $0x9000004A  }
0x41: {  	s0 =	sadd.s32 @!p0 $0x100000, s1;
	[bflag:$0x2] =	sbarrier.arrive $0xFFFF  }
0x42: {  	[sflag:s0] =	ssyncadd.tile.s32 @!p0 $0x1;
	_ =	shalt  }
.Lfunc_end1:
_tile_overlayer_lowered:
.L_overlay_start_2:
0x43: {  	(tag) =	ssettag $0x2  }
0x44: {  	s0 =	rddreg [dreg:$0x0];
	s2 =	stileid.u32  }
0x45: {  	s1 =	rddreg [dreg:$0x1];
	p0 =	sne.s32 s2, $0x0  }
0x46: {  	s3 =	rddreg [dreg:$0x2];
	[bflag:$0x3] =	sbarrier.arrive $0xFFFF;
	s2 =	simm.s32 @!p0 $0x1C01  }
0x47: {  	[timem:s3], [sflag:s2] =	dma.local @!p0 [hbm:s0], s1  }
0x48: {  	s0 =	simm.s32 @!p0 $0x1  }
0x49: {  	_ =	swait.ge @!p0 [sflag:s0], s1  }
0x4a: {  	s1 =	ssub.s32 @!p0 $0x0, s1;
	[sflag:s0] =	ssyncset.done @!p0 $0x0  }
0x4b: {  	[sflag:s0] =	ssyncadd.s32 @!p0 s1  }
0x4c: {  	[bflag:$0x3] =	sbarrier.arrive $0xFFFF  }
0x4d: {  	_ =	shalt  }

</sc_bundles>
